<compile_context>
chip_gen: v7x
topology: tpu7x:2x2x1
jax: 0.10.2.dev20260603
libtpu: 0.0.44.dev20260713+nightly
codegen_flags: <defaults>
</compile_context>

<pallas_src>
import functools

import jax
import jax.numpy as jnp
from jax import lax
from jax.experimental import pallas as pl
from jax.experimental.pallas import tpu as pltpu
from jax.experimental.pallas import tpu_sc as plsc

BATCH = 4096
HIST = 50
D = 128
NW = 32
BPW = BATCH // NW

_mesh = plsc.VectorSubcoreMesh(core_axis_name="c", subcore_axis_name="s")


HG = 3
NCH = HIST // HG
TAIL = HIST - NCH * HG


@functools.partial(
    pl.kernel,
    mesh=_mesh,
    out_type=jax.ShapeDtypeStruct((HIST, BATCH, D), jnp.float32),
    scratch_types=[
        pltpu.VMEM((HIST, BPW), jnp.int32),
        pltpu.VMEM((HG, BPW, D), jnp.float32),
        pltpu.VMEM((HG, BPW, D), jnp.float32),
        pltpu.SemaphoreType.DMA,
        pltpu.SemaphoreType.DMA,
    ],
)
def _gather_kernel(idx_hbm, table_hbm, out_hbm, idx_v, buf0, buf1, g0, g1):
    wid = lax.axis_index("s") * 2 + lax.axis_index("c")
    b0 = wid * BPW
    pltpu.sync_copy(idx_hbm.at[pl.ds(0, HIST), pl.ds(b0, BPW)], idx_v)

    class gather:

        def __init__(self, c, buf, sem, n=HG):
            self.copies = [
                pltpu.make_async_copy(
                    table_hbm.at[idx_v.at[c * HG + j]], buf.at[j], sem
                )
                for j in range(n)
            ]

        def start(self):
            for cp in self.copies:
                cp.start()

        def wait(self):
            for cp in self.copies:
                cp.wait()

    def writeback(c, buf, n=HG):
        pltpu.sync_copy(
            buf.at[pl.ds(0, n)], out_hbm.at[pl.ds(c * HG, n), pl.ds(b0, BPW)]
        )

    gather(0, buf0, g0).start()

    def body(i, carry):
        c0 = 2 * i
        gather(c0 + 1, buf1, g1).start()
        gather(c0, buf0, g0).wait()
        writeback(c0, buf0)

        @pl.when(i < NCH // 2 - 1)
        def _():
            gather(c0 + 2, buf0, g0).start()

        gather(c0 + 1, buf1, g1).wait()
        writeback(c0 + 1, buf1)
        return carry

    lax.fori_loop(0, NCH // 2, body, 0)

    gather(NCH, buf0, g0, n=TAIL).start()
    gather(NCH, buf0, g0, n=TAIL).wait()
    writeback(NCH, buf0, n=TAIL)


def kernel(input, weight):
    idx_t = jnp.transpose(input)
    out = _gather_kernel(idx_t, weight)
    return jnp.transpose(out, (1, 0, 2))

# --- scband reference (transcript-rebuilt; emitter-appended) ---
"""Pipeline reference for scband-partial-tpembedding-33904471834718 (READ-ONLY COPY).

The authoritative reference and input builder live on the scoring server;
editing this copy changes nothing except your own understanding.
"""

import jax, jax.numpy as jnp
import numpy as np

VOCAB = 100000
EMBED_DIM = 128
BATCH = 4096
HIST = 50


def setup_inputs(seed: int = 0) -> dict:
    key = jax.random.key(seed)
    k1, k2 = jax.random.split(key)
    # token indices into the embedding table
    input = jax.random.randint(k1, (BATCH, HIST), 0, VOCAB, dtype=jnp.int32)
    # full (unsharded-equivalent) embedding table; in the TP module each rank
    # holds a dim=1 slice of this table. Reference uses the full table.
    weight = jax.random.normal(k2, (VOCAB, EMBED_DIM), dtype=jnp.float32) * 0.02
    return {"input": input, "weight": weight}


def reference(input, weight):
    # torch.nn.functional.embedding(input, weight) == row gather
    return jnp.take(weight, input, axis=0)

if __name__ == "__main__":
    import jax
    _d = setup_inputs()
    print(jax.jit(kernel)(*tuple(_d.values())))

</pallas_src>

<mosaic_0001>
#map = affine_map<(d0, d1) -> (0, 0)>
#map1 = affine_map<(d0, d1) -> (0, 0, 0)>
module attributes {stable_mosaic.version = 14 : i64} {
  func.func @_gather_kernel(%arg0: i32, %arg1: i32, %arg2: memref<50x4096xi32, #tpu.memory_space<hbm>>, %arg3: memref<100000x128xf32, #tpu.memory_space<hbm>>, %arg4: memref<50x4096x128xf32, #tpu.memory_space<hbm>>, %arg5: memref<50x128xi32, #tpu.memory_space<vmem>>, %arg6: memref<3x128x128xf32, #tpu.memory_space<vmem>>, %arg7: memref<3x128x128xf32, #tpu.memory_space<vmem>>, %arg8: memref<!tpu.dma_semaphore, #tpu.memory_space<semaphore_mem>>, %arg9: memref<!tpu.dma_semaphore, #tpu.memory_space<semaphore_mem>>) attributes {dimension_semantics = [#tpu.dimension_semantics<core_parallel>, #tpu.dimension_semantics<subcore_parallel>], iteration_bounds = array<i64: 2, 16>, scalar_prefetch = 0 : i64, scratch_operands = 5 : i64, tpu.core_type = #tpu.core_type<sc_vector_subcore>, window_params = [{transform_indices = #map}, {transform_indices = #map}, {transform_indices = #map1}]} {
    %mul3A = arith.constant 2 : i32
    %mul3A_0 = arith.muli %arg1, %mul3A : i32
    %add3A = arith.addi %mul3A_0, %arg0 : i32
    %mul3A_1 = arith.constant 128 : i32
    %mul3A_2 = arith.muli %add3A, %mul3A_1 : i32
    "tpu.region"() ({
      %run_scoped3A = tpu.sem_alloc : memref<!tpu.dma_semaphore, #tpu.memory_space<semaphore_mem>>
      %dma_start3A_90 = arith.constant 0 : i32
      %dma_start3A_91 = tpu.memref_slice %arg2[%dma_start3A_90, %mul3A_2] : memref<50x4096xi32, #tpu.memory_space<hbm>> -> memref<50x128xi32, #tpu.memory_space<hbm>>
      %dma_start3A_92 = arith.constant 0 : i32
      %dma_start3A_93 = tpu.memref_slice %arg2[%dma_start3A_92, %mul3A_2] : memref<50x4096xi32, #tpu.memory_space<hbm>> -> memref<50x128xi32, #tpu.memory_space<hbm>>
      tpu.enqueue_dma source(%dma_start3A_93 : memref<50x128xi32, #tpu.memory_space<hbm>>) target(%arg5 : memref<50x128xi32, #tpu.memory_space<vmem>>) target_semaphore(%run_scoped3A : memref<!tpu.dma_semaphore, #tpu.memory_space<semaphore_mem>>)
      %dma_wait3A_94 = arith.constant 0 : i32
      %dma_wait3A_95 = tpu.memref_slice %arg2[%dma_wait3A_94, %mul3A_2] : memref<50x4096xi32, #tpu.memory_space<hbm>> -> memref<50x128xi32, #tpu.memory_space<hbm>>
      %dma_wait3A_96 = arith.constant 0 : i32
      %dma_wait3A_97 = tpu.memref_slice %arg2[%dma_wait3A_96, %mul3A_2] : memref<50x4096xi32, #tpu.memory_space<hbm>> -> memref<50x128xi32, #tpu.memory_space<hbm>>
      tpu.wait_dma2 semaphore(%run_scoped3A : memref<!tpu.dma_semaphore, #tpu.memory_space<semaphore_mem>>) src(%dma_wait3A_97 : memref<50x128xi32, #tpu.memory_space<hbm>>) dst(%arg5 : memref<50x128xi32, #tpu.memory_space<vmem>>)
      tpu.yield
    }) : () -> ()
    %dma_start3A = arith.constant 0 : i32
    %dma_start3A_3 = arith.constant 0 : i32
    %dma_start3A_4 = arith.constant 0 : i32
    %dma_start3A_5 = arith.constant 0 : i32
    %dma_start3A_6 = tpu.memref_slice %arg6[%dma_start3A_3, %dma_start3A_4, %dma_start3A_5] : memref<3x128x128xf32, #tpu.memory_space<vmem>> -> memref<1x128x128xf32, #tpu.memory_space<vmem>>
    %dma_start3A_7 = tpu.memref_squeeze %dma_start3A_6 : memref<1x128x128xf32, #tpu.memory_space<vmem>> -> memref<128x128xf32, #tpu.memory_space<vmem>>
    %dma_start3A_8 = arith.constant 0 : i32
    %dma_start3A_9 = tpu.memref_slice %arg5[%dma_start3A, %dma_start3A_8] : memref<50x128xi32, #tpu.memory_space<vmem>> -> memref<1x128xi32, #tpu.memory_space<vmem>>
    %dma_start3A_10 = tpu.memref_squeeze %dma_start3A_9 : memref<1x128xi32, #tpu.memory_space<vmem>> -> memref<128xi32, #tpu.memory_space<vmem>>
    %dma_start3A_11 = arith.constant 0 : i32
    %dma_start3A_12 = arith.constant 0 : i32
    %dma_start3A_13 = tpu.memref_slice %arg3[%dma_start3A_11, %dma_start3A_12] : memref<100000x128xf32, #tpu.memory_space<hbm>> -> memref<100000x128xf32, #tpu.memory_space<hbm>>
    tpu.enqueue_indirect_dma source(%dma_start3A_13 : memref<100000x128xf32, #tpu.memory_space<hbm>>) target(%dma_start3A_7 : memref<128x128xf32, #tpu.memory_space<vmem>>) offsets(%dma_start3A_10 : memref<128xi32, #tpu.memory_space<vmem>>) semaphore(%arg8 : memref<!tpu.dma_semaphore, #tpu.memory_space<semaphore_mem>>)
    %dma_start3A_14 = arith.constant 1 : i32
    %dma_start3A_15 = arith.constant 1 : i32
    %dma_start3A_16 = arith.constant 0 : i32
    %dma_start3A_17 = arith.constant 0 : i32
    %dma_start3A_18 = tpu.memref_slice %arg6[%dma_start3A_15, %dma_start3A_16, %dma_start3A_17] : memref<3x128x128xf32, #tpu.memory_space<vmem>> -> memref<1x128x128xf32, #tpu.memory_space<vmem>>
    %dma_start3A_19 = tpu.memref_squeeze %dma_start3A_18 : memref<1x128x128xf32, #tpu.memory_space<vmem>> -> memref<128x128xf32, #tpu.memory_space<vmem>>
    %dma_start3A_20 = arith.constant 0 : i32
    %dma_start3A_21 = tpu.memref_slice %arg5[%dma_start3A_14, %dma_start3A_20] : memref<50x128xi32, #tpu.memory_space<vmem>> -> memref<1x128xi32, #tpu.memory_space<vmem>>
    %dma_start3A_22 = tpu.memref_squeeze %dma_start3A_21 : memref<1x128xi32, #tpu.memory_space<vmem>> -> memref<128xi32, #tpu.memory_space<vmem>>
    %dma_start3A_23 = arith.constant 0 : i32
    %dma_start3A_24 = arith.constant 0 : i32
    %dma_start3A_25 = tpu.memref_slice %arg3[%dma_start3A_23, %dma_start3A_24] : memref<100000x128xf32, #tpu.memory_space<hbm>> -> memref<100000x128xf32, #tpu.memory_space<hbm>>
    tpu.enqueue_indirect_dma source(%dma_start3A_25 : memref<100000x128xf32, #tpu.memory_space<hbm>>) target(%dma_start3A_19 : memref<128x128xf32, #tpu.memory_space<vmem>>) offsets(%dma_start3A_22 : memref<128xi32, #tpu.memory_space<vmem>>) semaphore(%arg8 : memref<!tpu.dma_semaphore, #tpu.memory_space<semaphore_mem>>)
    %dma_start3A_26 = arith.constant 2 : i32
    %dma_start3A_27 = arith.constant 2 : i32
    %dma_start3A_28 = arith.constant 0 : i32
    %dma_start3A_29 = arith.constant 0 : i32
    %dma_start3A_30 = tpu.memref_slice %arg6[%dma_start3A_27, %dma_start3A_28, %dma_start3A_29] : memref<3x128x128xf32, #tpu.memory_space<vmem>> -> memref<1x128x128xf32, #tpu.memory_space<vmem>>
    %dma_start3A_31 = tpu.memref_squeeze %dma_start3A_30 : memref<1x128x128xf32, #tpu.memory_space<vmem>> -> memref<128x128xf32, #tpu.memory_space<vmem>>
    %dma_start3A_32 = arith.constant 0 : i32
    %dma_start3A_33 = tpu.memref_slice %arg5[%dma_start3A_26, %dma_start3A_32] : memref<50x128xi32, #tpu.memory_space<vmem>> -> memref<1x128xi32, #tpu.memory_space<vmem>>
    %dma_start3A_34 = tpu.memref_squeeze %dma_start3A_33 : memref<1x128xi32, #tpu.memory_space<vmem>> -> memref<128xi32, #tpu.memory_space<vmem>>
    %dma_start3A_35 = arith.constant 0 : i32
    %dma_start3A_36 = arith.constant 0 : i32
    %dma_start3A_37 = tpu.memref_slice %arg3[%dma_start3A_35, %dma_start3A_36] : memref<100000x128xf32, #tpu.memory_space<hbm>> -> memref<100000x128xf32, #tpu.memory_space<hbm>>
    tpu.enqueue_indirect_dma source(%dma_start3A_37 : memref<100000x128xf32, #tpu.memory_space<hbm>>) target(%dma_start3A_31 : memref<128x128xf32, #tpu.memory_space<vmem>>) offsets(%dma_start3A_34 : memref<128xi32, #tpu.memory_space<vmem>>) semaphore(%arg8 : memref<!tpu.dma_semaphore, #tpu.memory_space<semaphore_mem>>)
    %scan3A = arith.constant 0 : i32
    %scan3A_38 = arith.constant 0 : i32
    %scan3A_39 = arith.constant 8 : i32
    %scan3A_40 = arith.addi %scan3A_38, %scan3A_39 : i32
    %scan3A_41 = arith.constant 1 : i32
    scf.for %scan3A_90 = %scan3A_38 to %scan3A_40 step %scan3A_41  : i32 {
      %mul3A_91 = arith.constant 2 : i32
      %mul3A_92 = arith.muli %mul3A_91, %scan3A_90 : i32
      %add3A_93 = arith.constant 1 : i32
      %add3A_94 = arith.addi %mul3A_92, %add3A_93 : i32
      %mul3A_95 = arith.constant 3 : i32
      %mul3A_96 = arith.muli %add3A_94, %mul3A_95 : i32
      %add3A_97 = arith.constant 0 : i32
      %add3A_98 = arith.addi %mul3A_96, %add3A_97 : i32
      %mul3A_99 = arith.constant 3 : i32
      %mul3A_100 = arith.muli %add3A_94, %mul3A_99 : i32
      %add3A_101 = arith.constant 1 : i32
      %add3A_102 = arith.addi %mul3A_100, %add3A_101 : i32
      %mul3A_103 = arith.constant 3 : i32
      %mul3A_104 = arith.muli %add3A_94, %mul3A_103 : i32
      %add3A_105 = arith.constant 2 : i32
      %add3A_106 = arith.addi %mul3A_104, %add3A_105 : i32
      %dma_start3A_107 = arith.constant 0 : i32
      %dma_start3A_108 = arith.constant 0 : i32
      %dma_start3A_109 = arith.constant 0 : i32
      %dma_start3A_110 = tpu.memref_slice %arg7[%dma_start3A_107, %dma_start3A_108, %dma_start3A_109] : memref<3x128x128xf32, #tpu.memory_space<vmem>> -> memref<1x128x128xf32, #tpu.memory_space<vmem>>
      %dma_start3A_111 = tpu.memref_squeeze %dma_start3A_110 : memref<1x128x128xf32, #tpu.memory_space<vmem>> -> memref<128x128xf32, #tpu.memory_space<vmem>>
      %dma_start3A_112 = arith.constant 0 : i32
      %dma_start3A_113 = tpu.memref_slice %arg5[%add3A_98, %dma_start3A_112] : memref<50x128xi32, #tpu.memory_space<vmem>> -> memref<1x128xi32, #tpu.memory_space<vmem>>
      %dma_start3A_114 = tpu.memref_squeeze %dma_start3A_113 : memref<1x128xi32, #tpu.memory_space<vmem>> -> memref<128xi32, #tpu.memory_space<vmem>>
      %dma_start3A_115 = arith.constant 0 : i32
      %dma_start3A_116 = arith.constant 0 : i32
      %dma_start3A_117 = tpu.memref_slice %arg3[%dma_start3A_115, %dma_start3A_116] : memref<100000x128xf32, #tpu.memory_space<hbm>> -> memref<100000x128xf32, #tpu.memory_space<hbm>>
      tpu.enqueue_indirect_dma source(%dma_start3A_117 : memref<100000x128xf32, #tpu.memory_space<hbm>>) target(%dma_start3A_111 : memref<128x128xf32, #tpu.memory_space<vmem>>) offsets(%dma_start3A_114 : memref<128xi32, #tpu.memory_space<vmem>>) semaphore(%arg9 : memref<!tpu.dma_semaphore, #tpu.memory_space<semaphore_mem>>)
      %dma_start3A_118 = arith.constant 1 : i32
      %dma_start3A_119 = arith.constant 0 : i32
      %dma_start3A_120 = arith.constant 0 : i32
      %dma_start3A_121 = tpu.memref_slice %arg7[%dma_start3A_118, %dma_start3A_119, %dma_start3A_120] : memref<3x128x128xf32, #tpu.memory_space<vmem>> -> memref<1x128x128xf32, #tpu.memory_space<vmem>>
      %dma_start3A_122 = tpu.memref_squeeze %dma_start3A_121 : memref<1x128x128xf32, #tpu.memory_space<vmem>> -> memref<128x128xf32, #tpu.memory_space<vmem>>
      %dma_start3A_123 = arith.constant 0 : i32
      %dma_start3A_124 = tpu.memref_slice %arg5[%add3A_102, %dma_start3A_123] : memref<50x128xi32, #tpu.memory_space<vmem>> -> memref<1x128xi32, #tpu.memory_space<vmem>>
      %dma_start3A_125 = tpu.memref_squeeze %dma_start3A_124 : memref<1x128xi32, #tpu.memory_space<vmem>> -> memref<128xi32, #tpu.memory_space<vmem>>
      %dma_start3A_126 = arith.constant 0 : i32
      %dma_start3A_127 = arith.constant 0 : i32
      %dma_start3A_128 = tpu.memref_slice %arg3[%dma_start3A_126, %dma_start3A_127] : memref<100000x128xf32, #tpu.memory_space<hbm>> -> memref<100000x128xf32, #tpu.memory_space<hbm>>
      tpu.enqueue_indirect_dma source(%dma_start3A_128 : memref<100000x128xf32, #tpu.memory_space<hbm>>) target(%dma_start3A_122 : memref<128x128xf32, #tpu.memory_space<vmem>>) offsets(%dma_start3A_125 : memref<128xi32, #tpu.memory_space<vmem>>) semaphore(%arg9 : memref<!tpu.dma_semaphore, #tpu.memory_space<semaphore_mem>>)
      %dma_start3A_129 = arith.constant 2 : i32
      %dma_start3A_130 = arith.constant 0 : i32
      %dma_start3A_131 = arith.constant 0 : i32
      %dma_start3A_132 = tpu.memref_slice %arg7[%dma_start3A_129, %dma_start3A_130, %dma_start3A_131] : memref<3x128x128xf32, #tpu.memory_space<vmem>> -> memref<1x128x128xf32, #tpu.memory_space<vmem>>
      %dma_start3A_133 = tpu.memref_squeeze %dma_start3A_132 : memref<1x128x128xf32, #tpu.memory_space<vmem>> -> memref<128x128xf32, #tpu.memory_space<vmem>>
      %dma_start3A_134 = arith.constant 0 : i32
      %dma_start3A_135 = tpu.memref_slice %arg5[%add3A_106, %dma_start3A_134] : memref<50x128xi32, #tpu.memory_space<vmem>> -> memref<1x128xi32, #tpu.memory_space<vmem>>
      %dma_start3A_136 = tpu.memref_squeeze %dma_start3A_135 : memref<1x128xi32, #tpu.memory_space<vmem>> -> memref<128xi32, #tpu.memory_space<vmem>>
      %dma_start3A_137 = arith.constant 0 : i32
      %dma_start3A_138 = arith.constant 0 : i32
      %dma_start3A_139 = tpu.memref_slice %arg3[%dma_start3A_137, %dma_start3A_138] : memref<100000x128xf32, #tpu.memory_space<hbm>> -> memref<100000x128xf32, #tpu.memory_space<hbm>>
      tpu.enqueue_indirect_dma source(%dma_start3A_139 : memref<100000x128xf32, #tpu.memory_space<hbm>>) target(%dma_start3A_133 : memref<128x128xf32, #tpu.memory_space<vmem>>) offsets(%dma_start3A_136 : memref<128xi32, #tpu.memory_space<vmem>>) semaphore(%arg9 : memref<!tpu.dma_semaphore, #tpu.memory_space<semaphore_mem>>)
      %mul3A_140 = arith.constant 3 : i32
      %mul3A_141 = arith.muli %mul3A_92, %mul3A_140 : i32
      %add3A_142 = arith.constant 0 : i32
      %add3A_143 = arith.addi %mul3A_141, %add3A_142 : i32
      %mul3A_144 = arith.constant 3 : i32
      %mul3A_145 = arith.muli %mul3A_92, %mul3A_144 : i32
      %add3A_146 = arith.constant 1 : i32
      %add3A_147 = arith.addi %mul3A_145, %add3A_146 : i32
      %mul3A_148 = arith.constant 3 : i32
      %mul3A_149 = arith.muli %mul3A_92, %mul3A_148 : i32
      %add3A_150 = arith.constant 2 : i32
      %add3A_151 = arith.addi %mul3A_149, %add3A_150 : i32
      %dma_wait3A_152 = arith.constant 0 : i32
      %dma_wait3A_153 = arith.constant 0 : i32
      %dma_wait3A_154 = arith.constant 0 : i32
      %dma_wait3A_155 = tpu.memref_slice %arg6[%dma_wait3A_152, %dma_wait3A_153, %dma_wait3A_154] : memref<3x128x128xf32, #tpu.memory_space<vmem>> -> memref<1x128x128xf32, #tpu.memory_space<vmem>>
      %dma_wait3A_156 = tpu.memref_squeeze %dma_wait3A_155 : memref<1x128x128xf32, #tpu.memory_space<vmem>> -> memref<128x128xf32, #tpu.memory_space<vmem>>
      %dma_wait3A_157 = arith.constant 0 : i32
      %dma_wait3A_158 = tpu.memref_slice %arg5[%add3A_143, %dma_wait3A_157] : memref<50x128xi32, #tpu.memory_space<vmem>> -> memref<1x128xi32, #tpu.memory_space<vmem>>
      %dma_wait3A_159 = tpu.memref_squeeze %dma_wait3A_158 : memref<1x128xi32, #tpu.memory_space<vmem>> -> memref<128xi32, #tpu.memory_space<vmem>>
      %dma_wait3A_160 = arith.constant 0 : i32
      %dma_wait3A_161 = arith.constant 0 : i32
      %dma_wait3A_162 = tpu.memref_slice %arg3[%dma_wait3A_160, %dma_wait3A_161] : memref<100000x128xf32, #tpu.memory_space<hbm>> -> memref<100000x128xf32, #tpu.memory_space<hbm>>
      tpu.wait_indirect_dma semaphore(%arg8 : memref<!tpu.dma_semaphore, #tpu.memory_space<semaphore_mem>>) src(%dma_wait3A_162 : memref<100000x128xf32, #tpu.memory_space<hbm>>) dst(%dma_wait3A_156 : memref<128x128xf32, #tpu.memory_space<vmem>>)
      %dma_wait3A_163 = arith.constant 1 : i32
      %dma_wait3A_164 = arith.constant 0 : i32
      %dma_wait3A_165 = arith.constant 0 : i32
      %dma_wait3A_166 = tpu.memref_slice %arg6[%dma_wait3A_163, %dma_wait3A_164, %dma_wait3A_165] : memref<3x128x128xf32, #tpu.memory_space<vmem>> -> memref<1x128x128xf32, #tpu.memory_space<vmem>>
      %dma_wait3A_167 = tpu.memref_squeeze %dma_wait3A_166 : memref<1x128x128xf32, #tpu.memory_space<vmem>> -> memref<128x128xf32, #tpu.memory_space<vmem>>
      %dma_wait3A_168 = arith.constant 0 : i32
      %dma_wait3A_169 = tpu.memref_slice %arg5[%add3A_147, %dma_wait3A_168] : memref<50x128xi32, #tpu.memory_space<vmem>> -> memref<1x128xi32, #tpu.memory_space<vmem>>
      %dma_wait3A_170 = tpu.memref_squeeze %dma_wait3A_169 : memref<1x128xi32, #tpu.memory_space<vmem>> -> memref<128xi32, #tpu.memory_space<vmem>>
      %dma_wait3A_171 = arith.constant 0 : i32
      %dma_wait3A_172 = arith.constant 0 : i32
      %dma_wait3A_173 = tpu.memref_slice %arg3[%dma_wait3A_171, %dma_wait3A_172] : memref<100000x128xf32, #tpu.memory_space<hbm>> -> memref<100000x128xf32, #tpu.memory_space<hbm>>
      tpu.wait_indirect_dma semaphore(%arg8 : memref<!tpu.dma_semaphore, #tpu.memory_space<semaphore_mem>>) src(%dma_wait3A_173 : memref<100000x128xf32, #tpu.memory_space<hbm>>) dst(%dma_wait3A_167 : memref<128x128xf32, #tpu.memory_space<vmem>>)
      %dma_wait3A_174 = arith.constant 2 : i32
      %dma_wait3A_175 = arith.constant 0 : i32
      %dma_wait3A_176 = arith.constant 0 : i32
      %dma_wait3A_177 = tpu.memref_slice %arg6[%dma_wait3A_174, %dma_wait3A_175, %dma_wait3A_176] : memref<3x128x128xf32, #tpu.memory_space<vmem>> -> memref<1x128x128xf32, #tpu.memory_space<vmem>>
      %dma_wait3A_178 = tpu.memref_squeeze %dma_wait3A_177 : memref<1x128x128xf32, #tpu.memory_space<vmem>> -> memref<128x128xf32, #tpu.memory_space<vmem>>
      %dma_wait3A_179 = arith.constant 0 : i32
      %dma_wait3A_180 = tpu.memref_slice %arg5[%add3A_151, %dma_wait3A_179] : memref<50x128xi32, #tpu.memory_space<vmem>> -> memref<1x128xi32, #tpu.memory_space<vmem>>
      %dma_wait3A_181 = tpu.memref_squeeze %dma_wait3A_180 : memref<1x128xi32, #tpu.memory_space<vmem>> -> memref<128xi32, #tpu.memory_space<vmem>>
      %dma_wait3A_182 = arith.constant 0 : i32
      %dma_wait3A_183 = arith.constant 0 : i32
      %dma_wait3A_184 = tpu.memref_slice %arg3[%dma_wait3A_182, %dma_wait3A_183] : memref<100000x128xf32, #tpu.memory_space<hbm>> -> memref<100000x128xf32, #tpu.memory_space<hbm>>
      tpu.wait_indirect_dma semaphore(%arg8 : memref<!tpu.dma_semaphore, #tpu.memory_space<semaphore_mem>>) src(%dma_wait3A_184 : memref<100000x128xf32, #tpu.memory_space<hbm>>) dst(%dma_wait3A_178 : memref<128x128xf32, #tpu.memory_space<vmem>>)
      %mul3A_185 = arith.constant 3 : i32
      %mul3A_186 = arith.muli %mul3A_92, %mul3A_185 : i32
      "tpu.region"() ({
        %run_scoped3A = tpu.sem_alloc : memref<!tpu.dma_semaphore, #tpu.memory_space<semaphore_mem>>
        %dma_start3A_240 = arith.constant 0 : i32
        %dma_start3A_241 = arith.constant 0 : i32
        %dma_start3A_242 = arith.constant 0 : i32
        %dma_start3A_243 = tpu.memref_slice %arg6[%dma_start3A_240, %dma_start3A_241, %dma_start3A_242] : memref<3x128x128xf32, #tpu.memory_space<vmem>> -> memref<3x128x128xf32, #tpu.memory_space<vmem>>
        %dma_start3A_244 = arith.constant 0 : i32
        %dma_start3A_245 = tpu.memref_slice %arg4[%mul3A_186, %mul3A_2, %dma_start3A_244] : memref<50x4096x128xf32, #tpu.memory_space<hbm>> -> memref<3x128x128xf32, #tpu.memory_space<hbm>>
        %dma_start3A_246 = arith.constant 0 : i32
        %dma_start3A_247 = tpu.memref_slice %arg4[%mul3A_186, %mul3A_2, %dma_start3A_246] : memref<50x4096x128xf32, #tpu.memory_space<hbm>> -> memref<3x128x128xf32, #tpu.memory_space<hbm>>
        %dma_start3A_248 = arith.constant 0 : i32
        %dma_start3A_249 = arith.constant 0 : i32
        %dma_start3A_250 = arith.constant 0 : i32
        %dma_start3A_251 = tpu.memref_slice %arg6[%dma_start3A_248, %dma_start3A_249, %dma_start3A_250] : memref<3x128x128xf32, #tpu.memory_space<vmem>> -> memref<3x128x128xf32, #tpu.memory_space<vmem>>
        tpu.enqueue_dma source(%dma_start3A_251 : memref<3x128x128xf32, #tpu.memory_space<vmem>>) target(%dma_start3A_247 : memref<3x128x128xf32, #tpu.memory_space<hbm>>) target_semaphore(%run_scoped3A : memref<!tpu.dma_semaphore, #tpu.memory_space<semaphore_mem>>)
        %dma_wait3A_252 = arith.constant 0 : i32
        %dma_wait3A_253 = arith.constant 0 : i32
        %dma_wait3A_254 = arith.constant 0 : i32
        %dma_wait3A_255 = tpu.memref_slice %arg6[%dma_wait3A_252, %dma_wait3A_253, %dma_wait3A_254] : memref<3x128x128xf32, #tpu.memory_space<vmem>> -> memref<3x128x128xf32, #tpu.memory_space<vmem>>
        %dma_wait3A_256 = arith.constant 0 : i32
        %dma_wait3A_257 = tpu.memref_slice %arg4[%mul3A_186, %mul3A_2, %dma_wait3A_256] : memref<50x4096x128xf32, #tpu.memory_space<hbm>> -> memref<3x128x128xf32, #tpu.memory_space<hbm>>
        %dma_wait3A_258 = arith.constant 0 : i32
        %dma_wait3A_259 = tpu.memref_slice %arg4[%mul3A_186, %mul3A_2, %dma_wait3A_258] : memref<50x4096x128xf32, #tpu.memory_space<hbm>> -> memref<3x128x128xf32, #tpu.memory_space<hbm>>
        %dma_wait3A_260 = arith.constant 0 : i32
        %dma_wait3A_261 = arith.constant 0 : i32
        %dma_wait3A_262 = arith.constant 0 : i32
        %dma_wait3A_263 = tpu.memref_slice %arg6[%dma_wait3A_260, %dma_wait3A_261, %dma_wait3A_262] : memref<3x128x128xf32, #tpu.memory_space<vmem>> -> memref<3x128x128xf32, #tpu.memory_space<vmem>>
        tpu.wait_dma2 semaphore(%run_scoped3A : memref<!tpu.dma_semaphore, #tpu.memory_space<semaphore_mem>>) src(%dma_wait3A_263 : memref<3x128x128xf32, #tpu.memory_space<vmem>>) dst(%dma_wait3A_259 : memref<3x128x128xf32, #tpu.memory_space<hbm>>)
        tpu.yield
      }) : () -> ()
      %lt3A = arith.constant 7 : i32
      %lt3A_187 = arith.cmpi slt, %scan3A_90, %lt3A : i32
      %convert_element_type3A = arith.extui %lt3A_187 : i1 to i32
      %cond3A = arith.constant 0 : i32
      %cond3A_188 = arith.cmpi ne, %convert_element_type3A, %cond3A : i32
      scf.if %cond3A_188 {
        %add3A_240 = arith.constant 2 : i32
        %add3A_241 = arith.addi %mul3A_92, %add3A_240 : i32
        %mul3A_242 = arith.constant 3 : i32
        %mul3A_243 = arith.muli %add3A_241, %mul3A_242 : i32
        %add3A_244 = arith.constant 0 : i32
        %add3A_245 = arith.addi %mul3A_243, %add3A_244 : i32
        %mul3A_246 = arith.constant 3 : i32
        %mul3A_247 = arith.muli %add3A_241, %mul3A_246 : i32
        %add3A_248 = arith.constant 1 : i32
        %add3A_249 = arith.addi %mul3A_247, %add3A_248 : i32
        %mul3A_250 = arith.constant 3 : i32
        %mul3A_251 = arith.muli %add3A_241, %mul3A_250 : i32
        %add3A_252 = arith.constant 2 : i32
        %add3A_253 = arith.addi %mul3A_251, %add3A_252 : i32
        %dma_start3A_254 = arith.constant 0 : i32
        %dma_start3A_255 = arith.constant 0 : i32
        %dma_start3A_256 = arith.constant 0 : i32
        %dma_start3A_257 = tpu.memref_slice %arg6[%dma_start3A_254, %dma_start3A_255, %dma_start3A_256] : memref<3x128x128xf32, #tpu.memory_space<vmem>> -> memref<1x128x128xf32, #tpu.memory_space<vmem>>
        %dma_start3A_258 = tpu.memref_squeeze %dma_start3A_257 : memref<1x128x128xf32, #tpu.memory_space<vmem>> -> memref<128x128xf32, #tpu.memory_space<vmem>>
        %dma_start3A_259 = arith.constant 0 : i32
        %dma_start3A_260 = tpu.memref_slice %arg5[%add3A_245, %dma_start3A_259] : memref<50x128xi32, #tpu.memory_space<vmem>> -> memref<1x128xi32, #tpu.memory_space<vmem>>
        %dma_start3A_261 = tpu.memref_squeeze %dma_start3A_260 : memref<1x128xi32, #tpu.memory_space<vmem>> -> memref<128xi32, #tpu.memory_space<vmem>>
        %dma_start3A_262 = arith.constant 0 : i32
        %dma_start3A_263 = arith.constant 0 : i32
        %dma_start3A_264 = tpu.memref_slice %arg3[%dma_start3A_262, %dma_start3A_263] : memref<100000x128xf32, #tpu.memory_space<hbm>> -> memref<100000x128xf32, #tpu.memory_space<hbm>>
        tpu.enqueue_indirect_dma source(%dma_start3A_264 : memref<100000x128xf32, #tpu.memory_space<hbm>>) target(%dma_start3A_258 : memref<128x128xf32, #tpu.memory_space<vmem>>) offsets(%dma_start3A_261 : memref<128xi32, #tpu.memory_space<vmem>>) semaphore(%arg8 : memref<!tpu.dma_semaphore, #tpu.memory_space<semaphore_mem>>)
        %dma_start3A_265 = arith.constant 1 : i32
        %dma_start3A_266 = arith.constant 0 : i32
        %dma_start3A_267 = arith.constant 0 : i32
        %dma_start3A_268 = tpu.memref_slice %arg6[%dma_start3A_265, %dma_start3A_266, %dma_start3A_267] : memref<3x128x128xf32, #tpu.memory_space<vmem>> -> memref<1x128x128xf32, #tpu.memory_space<vmem>>
        %dma_start3A_269 = tpu.memref_squeeze %dma_start3A_268 : memref<1x128x128xf32, #tpu.memory_space<vmem>> -> memref<128x128xf32, #tpu.memory_space<vmem>>
        %dma_start3A_270 = arith.constant 0 : i32
        %dma_start3A_271 = tpu.memref_slice %arg5[%add3A_249, %dma_start3A_270] : memref<50x128xi32, #tpu.memory_space<vmem>> -> memref<1x128xi32, #tpu.memory_space<vmem>>
        %dma_start3A_272 = tpu.memref_squeeze %dma_start3A_271 : memref<1x128xi32, #tpu.memory_space<vmem>> -> memref<128xi32, #tpu.memory_space<vmem>>
        %dma_start3A_273 = arith.constant 0 : i32
        %dma_start3A_274 = arith.constant 0 : i32
        %dma_start3A_275 = tpu.memref_slice %arg3[%dma_start3A_273, %dma_start3A_274] : memref<100000x128xf32, #tpu.memory_space<hbm>> -> memref<100000x128xf32, #tpu.memory_space<hbm>>
        tpu.enqueue_indirect_dma source(%dma_start3A_275 : memref<100000x128xf32, #tpu.memory_space<hbm>>) target(%dma_start3A_269 : memref<128x128xf32, #tpu.memory_space<vmem>>) offsets(%dma_start3A_272 : memref<128xi32, #tpu.memory_space<vmem>>) semaphore(%arg8 : memref<!tpu.dma_semaphore, #tpu.memory_space<semaphore_mem>>)
        %dma_start3A_276 = arith.constant 2 : i32
        %dma_start3A_277 = arith.constant 0 : i32
        %dma_start3A_278 = arith.constant 0 : i32
        %dma_start3A_279 = tpu.memref_slice %arg6[%dma_start3A_276, %dma_start3A_277, %dma_start3A_278] : memref<3x128x128xf32, #tpu.memory_space<vmem>> -> memref<1x128x128xf32, #tpu.memory_space<vmem>>
        %dma_start3A_280 = tpu.memref_squeeze %dma_start3A_279 : memref<1x128x128xf32, #tpu.memory_space<vmem>> -> memref<128x128xf32, #tpu.memory_space<vmem>>
        %dma_start3A_281 = arith.constant 0 : i32
        %dma_start3A_282 = tpu.memref_slice %arg5[%add3A_253, %dma_start3A_281] : memref<50x128xi32, #tpu.memory_space<vmem>> -> memref<1x128xi32, #tpu.memory_space<vmem>>
        %dma_start3A_283 = tpu.memref_squeeze %dma_start3A_282 : memref<1x128xi32, #tpu.memory_space<vmem>> -> memref<128xi32, #tpu.memory_space<vmem>>
        %dma_start3A_284 = arith.constant 0 : i32
        %dma_start3A_285 = arith.constant 0 : i32
        %dma_start3A_286 = tpu.memref_slice %arg3[%dma_start3A_284, %dma_start3A_285] : memref<100000x128xf32, #tpu.memory_space<hbm>> -> memref<100000x128xf32, #tpu.memory_space<hbm>>
        tpu.enqueue_indirect_dma source(%dma_start3A_286 : memref<100000x128xf32, #tpu.memory_space<hbm>>) target(%dma_start3A_280 : memref<128x128xf32, #tpu.memory_space<vmem>>) offsets(%dma_start3A_283 : memref<128xi32, #tpu.memory_space<vmem>>) semaphore(%arg8 : memref<!tpu.dma_semaphore, #tpu.memory_space<semaphore_mem>>)
      } else {
      }
      %add3A_189 = arith.constant 1 : i32
      %add3A_190 = arith.addi %mul3A_92, %add3A_189 : i32
      %mul3A_191 = arith.constant 3 : i32
      %mul3A_192 = arith.muli %add3A_190, %mul3A_191 : i32
      %add3A_193 = arith.constant 0 : i32
      %add3A_194 = arith.addi %mul3A_192, %add3A_193 : i32
      %mul3A_195 = arith.constant 3 : i32
      %mul3A_196 = arith.muli %add3A_190, %mul3A_195 : i32
      %add3A_197 = arith.constant 1 : i32
      %add3A_198 = arith.addi %mul3A_196, %add3A_197 : i32
      %mul3A_199 = arith.constant 3 : i32
      %mul3A_200 = arith.muli %add3A_190, %mul3A_199 : i32
      %add3A_201 = arith.constant 2 : i32
      %add3A_202 = arith.addi %mul3A_200, %add3A_201 : i32
      %dma_wait3A_203 = arith.constant 0 : i32
      %dma_wait3A_204 = arith.constant 0 : i32
      %dma_wait3A_205 = arith.constant 0 : i32
      %dma_wait3A_206 = tpu.memref_slice %arg7[%dma_wait3A_203, %dma_wait3A_204, %dma_wait3A_205] : memref<3x128x128xf32, #tpu.memory_space<vmem>> -> memref<1x128x128xf32, #tpu.memory_space<vmem>>
      %dma_wait3A_207 = tpu.memref_squeeze %dma_wait3A_206 : memref<1x128x128xf32, #tpu.memory_space<vmem>> -> memref<128x128xf32, #tpu.memory_space<vmem>>
      %dma_wait3A_208 = arith.constant 0 : i32
      %dma_wait3A_209 = tpu.memref_slice %arg5[%add3A_194, %dma_wait3A_208] : memref<50x128xi32, #tpu.memory_space<vmem>> -> memref<1x128xi32, #tpu.memory_space<vmem>>
      %dma_wait3A_210 = tpu.memref_squeeze %dma_wait3A_209 : memref<1x128xi32, #tpu.memory_space<vmem>> -> memref<128xi32, #tpu.memory_space<vmem>>
      %dma_wait3A_211 = arith.constant 0 : i32
      %dma_wait3A_212 = arith.constant 0 : i32
      %dma_wait3A_213 = tpu.memref_slice %arg3[%dma_wait3A_211, %dma_wait3A_212] : memref<100000x128xf32, #tpu.memory_space<hbm>> -> memref<100000x128xf32, #tpu.memory_space<hbm>>
      tpu.wait_indirect_dma semaphore(%arg9 : memref<!tpu.dma_semaphore, #tpu.memory_space<semaphore_mem>>) src(%dma_wait3A_213 : memref<100000x128xf32, #tpu.memory_space<hbm>>) dst(%dma_wait3A_207 : memref<128x128xf32, #tpu.memory_space<vmem>>)
      %dma_wait3A_214 = arith.constant 1 : i32
      %dma_wait3A_215 = arith.constant 0 : i32
      %dma_wait3A_216 = arith.constant 0 : i32
      %dma_wait3A_217 = tpu.memref_slice %arg7[%dma_wait3A_214, %dma_wait3A_215, %dma_wait3A_216] : memref<3x128x128xf32, #tpu.memory_space<vmem>> -> memref<1x128x128xf32, #tpu.memory_space<vmem>>
      %dma_wait3A_218 = tpu.memref_squeeze %dma_wait3A_217 : memref<1x128x128xf32, #tpu.memory_space<vmem>> -> memref<128x128xf32, #tpu.memory_space<vmem>>
      %dma_wait3A_219 = arith.constant 0 : i32
      %dma_wait3A_220 = tpu.memref_slice %arg5[%add3A_198, %dma_wait3A_219] : memref<50x128xi32, #tpu.memory_space<vmem>> -> memref<1x128xi32, #tpu.memory_space<vmem>>
      %dma_wait3A_221 = tpu.memref_squeeze %dma_wait3A_220 : memref<1x128xi32, #tpu.memory_space<vmem>> -> memref<128xi32, #tpu.memory_space<vmem>>
      %dma_wait3A_222 = arith.constant 0 : i32
      %dma_wait3A_223 = arith.constant 0 : i32
      %dma_wait3A_224 = tpu.memref_slice %arg3[%dma_wait3A_222, %dma_wait3A_223] : memref<100000x128xf32, #tpu.memory_space<hbm>> -> memref<100000x128xf32, #tpu.memory_space<hbm>>
      tpu.wait_indirect_dma semaphore(%arg9 : memref<!tpu.dma_semaphore, #tpu.memory_space<semaphore_mem>>) src(%dma_wait3A_224 : memref<100000x128xf32, #tpu.memory_space<hbm>>) dst(%dma_wait3A_218 : memref<128x128xf32, #tpu.memory_space<vmem>>)
      %dma_wait3A_225 = arith.constant 2 : i32
      %dma_wait3A_226 = arith.constant 0 : i32
      %dma_wait3A_227 = arith.constant 0 : i32
      %dma_wait3A_228 = tpu.memref_slice %arg7[%dma_wait3A_225, %dma_wait3A_226, %dma_wait3A_227] : memref<3x128x128xf32, #tpu.memory_space<vmem>> -> memref<1x128x128xf32, #tpu.memory_space<vmem>>
      %dma_wait3A_229 = tpu.memref_squeeze %dma_wait3A_228 : memref<1x128x128xf32, #tpu.memory_space<vmem>> -> memref<128x128xf32, #tpu.memory_space<vmem>>
      %dma_wait3A_230 = arith.constant 0 : i32
      %dma_wait3A_231 = tpu.memref_slice %arg5[%add3A_202, %dma_wait3A_230] : memref<50x128xi32, #tpu.memory_space<vmem>> -> memref<1x128xi32, #tpu.memory_space<vmem>>
      %dma_wait3A_232 = tpu.memref_squeeze %dma_wait3A_231 : memref<1x128xi32, #tpu.memory_space<vmem>> -> memref<128xi32, #tpu.memory_space<vmem>>
      %dma_wait3A_233 = arith.constant 0 : i32
      %dma_wait3A_234 = arith.constant 0 : i32
      %dma_wait3A_235 = tpu.memref_slice %arg3[%dma_wait3A_233, %dma_wait3A_234] : memref<100000x128xf32, #tpu.memory_space<hbm>> -> memref<100000x128xf32, #tpu.memory_space<hbm>>
      tpu.wait_indirect_dma semaphore(%arg9 : memref<!tpu.dma_semaphore, #tpu.memory_space<semaphore_mem>>) src(%dma_wait3A_235 : memref<100000x128xf32, #tpu.memory_space<hbm>>) dst(%dma_wait3A_229 : memref<128x128xf32, #tpu.memory_space<vmem>>)
      %add3A_236 = arith.constant 1 : i32
      %add3A_237 = arith.addi %mul3A_92, %add3A_236 : i32
      %mul3A_238 = arith.constant 3 : i32
      %mul3A_239 = arith.muli %add3A_237, %mul3A_238 : i32
      "tpu.region"() ({
        %run_scoped3A = tpu.sem_alloc : memref<!tpu.dma_semaphore, #tpu.memory_space<semaphore_mem>>
        %dma_start3A_240 = arith.constant 0 : i32
        %dma_start3A_241 = arith.constant 0 : i32
        %dma_start3A_242 = arith.constant 0 : i32
        %dma_start3A_243 = tpu.memref_slice %arg7[%dma_start3A_240, %dma_start3A_241, %dma_start3A_242] : memref<3x128x128xf32, #tpu.memory_space<vmem>> -> memref<3x128x128xf32, #tpu.memory_space<vmem>>
        %dma_start3A_244 = arith.constant 0 : i32
        %dma_start3A_245 = tpu.memref_slice %arg4[%mul3A_239, %mul3A_2, %dma_start3A_244] : memref<50x4096x128xf32, #tpu.memory_space<hbm>> -> memref<3x128x128xf32, #tpu.memory_space<hbm>>
        %dma_start3A_246 = arith.constant 0 : i32
        %dma_start3A_247 = tpu.memref_slice %arg4[%mul3A_239, %mul3A_2, %dma_start3A_246] : memref<50x4096x128xf32, #tpu.memory_space<hbm>> -> memref<3x128x128xf32, #tpu.memory_space<hbm>>
        %dma_start3A_248 = arith.constant 0 : i32
        %dma_start3A_249 = arith.constant 0 : i32
        %dma_start3A_250 = arith.constant 0 : i32
        %dma_start3A_251 = tpu.memref_slice %arg7[%dma_start3A_248, %dma_start3A_249, %dma_start3A_250] : memref<3x128x128xf32, #tpu.memory_space<vmem>> -> memref<3x128x128xf32, #tpu.memory_space<vmem>>
        tpu.enqueue_dma source(%dma_start3A_251 : memref<3x128x128xf32, #tpu.memory_space<vmem>>) target(%dma_start3A_247 : memref<3x128x128xf32, #tpu.memory_space<hbm>>) target_semaphore(%run_scoped3A : memref<!tpu.dma_semaphore, #tpu.memory_space<semaphore_mem>>)
        %dma_wait3A_252 = arith.constant 0 : i32
        %dma_wait3A_253 = arith.constant 0 : i32
        %dma_wait3A_254 = arith.constant 0 : i32
        %dma_wait3A_255 = tpu.memref_slice %arg7[%dma_wait3A_252, %dma_wait3A_253, %dma_wait3A_254] : memref<3x128x128xf32, #tpu.memory_space<vmem>> -> memref<3x128x128xf32, #tpu.memory_space<vmem>>
        %dma_wait3A_256 = arith.constant 0 : i32
        %dma_wait3A_257 = tpu.memref_slice %arg4[%mul3A_239, %mul3A_2, %dma_wait3A_256] : memref<50x4096x128xf32, #tpu.memory_space<hbm>> -> memref<3x128x128xf32, #tpu.memory_space<hbm>>
        %dma_wait3A_258 = arith.constant 0 : i32
        %dma_wait3A_259 = tpu.memref_slice %arg4[%mul3A_239, %mul3A_2, %dma_wait3A_258] : memref<50x4096x128xf32, #tpu.memory_space<hbm>> -> memref<3x128x128xf32, #tpu.memory_space<hbm>>
        %dma_wait3A_260 = arith.constant 0 : i32
        %dma_wait3A_261 = arith.constant 0 : i32
        %dma_wait3A_262 = arith.constant 0 : i32
        %dma_wait3A_263 = tpu.memref_slice %arg7[%dma_wait3A_260, %dma_wait3A_261, %dma_wait3A_262] : memref<3x128x128xf32, #tpu.memory_space<vmem>> -> memref<3x128x128xf32, #tpu.memory_space<vmem>>
        tpu.wait_dma2 semaphore(%run_scoped3A : memref<!tpu.dma_semaphore, #tpu.memory_space<semaphore_mem>>) src(%dma_wait3A_263 : memref<3x128x128xf32, #tpu.memory_space<vmem>>) dst(%dma_wait3A_259 : memref<3x128x128xf32, #tpu.memory_space<hbm>>)
        tpu.yield
      }) : () -> ()
    }
    %scan3A_42 = arith.constant 8 : i32
    %dma_start3A_43 = arith.constant 48 : i32
    %dma_start3A_44 = arith.constant 0 : i32
    %dma_start3A_45 = arith.constant 0 : i32
    %dma_start3A_46 = arith.constant 0 : i32
    %dma_start3A_47 = tpu.memref_slice %arg6[%dma_start3A_44, %dma_start3A_45, %dma_start3A_46] : memref<3x128x128xf32, #tpu.memory_space<vmem>> -> memref<1x128x128xf32, #tpu.memory_space<vmem>>
    %dma_start3A_48 = tpu.memref_squeeze %dma_start3A_47 : memref<1x128x128xf32, #tpu.memory_space<vmem>> -> memref<128x128xf32, #tpu.memory_space<vmem>>
    %dma_start3A_49 = arith.constant 0 : i32
    %dma_start3A_50 = tpu.memref_slice %arg5[%dma_start3A_43, %dma_start3A_49] : memref<50x128xi32, #tpu.memory_space<vmem>> -> memref<1x128xi32, #tpu.memory_space<vmem>>
    %dma_start3A_51 = tpu.memref_squeeze %dma_start3A_50 : memref<1x128xi32, #tpu.memory_space<vmem>> -> memref<128xi32, #tpu.memory_space<vmem>>
    %dma_start3A_52 = arith.constant 0 : i32
    %dma_start3A_53 = arith.constant 0 : i32
    %dma_start3A_54 = tpu.memref_slice %arg3[%dma_start3A_52, %dma_start3A_53] : memref<100000x128xf32, #tpu.memory_space<hbm>> -> memref<100000x128xf32, #tpu.memory_space<hbm>>
    tpu.enqueue_indirect_dma source(%dma_start3A_54 : memref<100000x128xf32, #tpu.memory_space<hbm>>) target(%dma_start3A_48 : memref<128x128xf32, #tpu.memory_space<vmem>>) offsets(%dma_start3A_51 : memref<128xi32, #tpu.memory_space<vmem>>) semaphore(%arg8 : memref<!tpu.dma_semaphore, #tpu.memory_space<semaphore_mem>>)
    %dma_start3A_55 = arith.constant 49 : i32
    %dma_start3A_56 = arith.constant 1 : i32
    %dma_start3A_57 = arith.constant 0 : i32
    %dma_start3A_58 = arith.constant 0 : i32
    %dma_start3A_59 = tpu.memref_slice %arg6[%dma_start3A_56, %dma_start3A_57, %dma_start3A_58] : memref<3x128x128xf32, #tpu.memory_space<vmem>> -> memref<1x128x128xf32, #tpu.memory_space<vmem>>
    %dma_start3A_60 = tpu.memref_squeeze %dma_start3A_59 : memref<1x128x128xf32, #tpu.memory_space<vmem>> -> memref<128x128xf32, #tpu.memory_space<vmem>>
    %dma_start3A_61 = arith.constant 0 : i32
    %dma_start3A_62 = tpu.memref_slice %arg5[%dma_start3A_55, %dma_start3A_61] : memref<50x128xi32, #tpu.memory_space<vmem>> -> memref<1x128xi32, #tpu.memory_space<vmem>>
    %dma_start3A_63 = tpu.memref_squeeze %dma_start3A_62 : memref<1x128xi32, #tpu.memory_space<vmem>> -> memref<128xi32, #tpu.memory_space<vmem>>
    %dma_start3A_64 = arith.constant 0 : i32
    %dma_start3A_65 = arith.constant 0 : i32
    %dma_start3A_66 = tpu.memref_slice %arg3[%dma_start3A_64, %dma_start3A_65] : memref<100000x128xf32, #tpu.memory_space<hbm>> -> memref<100000x128xf32, #tpu.memory_space<hbm>>
    tpu.enqueue_indirect_dma source(%dma_start3A_66 : memref<100000x128xf32, #tpu.memory_space<hbm>>) target(%dma_start3A_60 : memref<128x128xf32, #tpu.memory_space<vmem>>) offsets(%dma_start3A_63 : memref<128xi32, #tpu.memory_space<vmem>>) semaphore(%arg8 : memref<!tpu.dma_semaphore, #tpu.memory_space<semaphore_mem>>)
    %dma_wait3A = arith.constant 48 : i32
    %dma_wait3A_67 = arith.constant 0 : i32
    %dma_wait3A_68 = arith.constant 0 : i32
    %dma_wait3A_69 = arith.constant 0 : i32
    %dma_wait3A_70 = tpu.memref_slice %arg6[%dma_wait3A_67, %dma_wait3A_68, %dma_wait3A_69] : memref<3x128x128xf32, #tpu.memory_space<vmem>> -> memref<1x128x128xf32, #tpu.memory_space<vmem>>
    %dma_wait3A_71 = tpu.memref_squeeze %dma_wait3A_70 : memref<1x128x128xf32, #tpu.memory_space<vmem>> -> memref<128x128xf32, #tpu.memory_space<vmem>>
    %dma_wait3A_72 = arith.constant 0 : i32
    %dma_wait3A_73 = tpu.memref_slice %arg5[%dma_wait3A, %dma_wait3A_72] : memref<50x128xi32, #tpu.memory_space<vmem>> -> memref<1x128xi32, #tpu.memory_space<vmem>>
    %dma_wait3A_74 = tpu.memref_squeeze %dma_wait3A_73 : memref<1x128xi32, #tpu.memory_space<vmem>> -> memref<128xi32, #tpu.memory_space<vmem>>
    %dma_wait3A_75 = arith.constant 0 : i32
    %dma_wait3A_76 = arith.constant 0 : i32
    %dma_wait3A_77 = tpu.memref_slice %arg3[%dma_wait3A_75, %dma_wait3A_76] : memref<100000x128xf32, #tpu.memory_space<hbm>> -> memref<100000x128xf32, #tpu.memory_space<hbm>>
    tpu.wait_indirect_dma semaphore(%arg8 : memref<!tpu.dma_semaphore, #tpu.memory_space<semaphore_mem>>) src(%dma_wait3A_77 : memref<100000x128xf32, #tpu.memory_space<hbm>>) dst(%dma_wait3A_71 : memref<128x128xf32, #tpu.memory_space<vmem>>)
    %dma_wait3A_78 = arith.constant 49 : i32
    %dma_wait3A_79 = arith.constant 1 : i32
    %dma_wait3A_80 = arith.constant 0 : i32
    %dma_wait3A_81 = arith.constant 0 : i32
    %dma_wait3A_82 = tpu.memref_slice %arg6[%dma_wait3A_79, %dma_wait3A_80, %dma_wait3A_81] : memref<3x128x128xf32, #tpu.memory_space<vmem>> -> memref<1x128x128xf32, #tpu.memory_space<vmem>>
    %dma_wait3A_83 = tpu.memref_squeeze %dma_wait3A_82 : memref<1x128x128xf32, #tpu.memory_space<vmem>> -> memref<128x128xf32, #tpu.memory_space<vmem>>
    %dma_wait3A_84 = arith.constant 0 : i32
    %dma_wait3A_85 = tpu.memref_slice %arg5[%dma_wait3A_78, %dma_wait3A_84] : memref<50x128xi32, #tpu.memory_space<vmem>> -> memref<1x128xi32, #tpu.memory_space<vmem>>
    %dma_wait3A_86 = tpu.memref_squeeze %dma_wait3A_85 : memref<1x128xi32, #tpu.memory_space<vmem>> -> memref<128xi32, #tpu.memory_space<vmem>>
    %dma_wait3A_87 = arith.constant 0 : i32
    %dma_wait3A_88 = arith.constant 0 : i32
    %dma_wait3A_89 = tpu.memref_slice %arg3[%dma_wait3A_87, %dma_wait3A_88] : memref<100000x128xf32, #tpu.memory_space<hbm>> -> memref<100000x128xf32, #tpu.memory_space<hbm>>
    tpu.wait_indirect_dma semaphore(%arg8 : memref<!tpu.dma_semaphore, #tpu.memory_space<semaphore_mem>>) src(%dma_wait3A_89 : memref<100000x128xf32, #tpu.memory_space<hbm>>) dst(%dma_wait3A_83 : memref<128x128xf32, #tpu.memory_space<vmem>>)
    "tpu.region"() ({
      %run_scoped3A = tpu.sem_alloc : memref<!tpu.dma_semaphore, #tpu.memory_space<semaphore_mem>>
      %dma_start3A_90 = arith.constant 0 : i32
      %dma_start3A_91 = arith.constant 0 : i32
      %dma_start3A_92 = arith.constant 0 : i32
      %dma_start3A_93 = tpu.memref_slice %arg6[%dma_start3A_90, %dma_start3A_91, %dma_start3A_92] : memref<3x128x128xf32, #tpu.memory_space<vmem>> -> memref<2x128x128xf32, #tpu.memory_space<vmem>>
      %dma_start3A_94 = arith.constant 48 : i32
      %dma_start3A_95 = arith.constant 0 : i32
      %dma_start3A_96 = tpu.memref_slice %arg4[%dma_start3A_94, %mul3A_2, %dma_start3A_95] : memref<50x4096x128xf32, #tpu.memory_space<hbm>> -> memref<2x128x128xf32, #tpu.memory_space<hbm>>
      %dma_start3A_97 = arith.constant 48 : i32
      %dma_start3A_98 = arith.constant 0 : i32
      %dma_start3A_99 = tpu.memref_slice %arg4[%dma_start3A_97, %mul3A_2, %dma_start3A_98] : memref<50x4096x128xf32, #tpu.memory_space<hbm>> -> memref<2x128x128xf32, #tpu.memory_space<hbm>>
      %dma_start3A_100 = arith.constant 0 : i32
      %dma_start3A_101 = arith.constant 0 : i32
      %dma_start3A_102 = arith.constant 0 : i32
      %dma_start3A_103 = tpu.memref_slice %arg6[%dma_start3A_100, %dma_start3A_101, %dma_start3A_102] : memref<3x128x128xf32, #tpu.memory_space<vmem>> -> memref<2x128x128xf32, #tpu.memory_space<vmem>>
      tpu.enqueue_dma source(%dma_start3A_103 : memref<2x128x128xf32, #tpu.memory_space<vmem>>) target(%dma_start3A_99 : memref<2x128x128xf32, #tpu.memory_space<hbm>>) target_semaphore(%run_scoped3A : memref<!tpu.dma_semaphore, #tpu.memory_space<semaphore_mem>>)
      %dma_wait3A_104 = arith.constant 0 : i32
      %dma_wait3A_105 = arith.constant 0 : i32
      %dma_wait3A_106 = arith.constant 0 : i32
      %dma_wait3A_107 = tpu.memref_slice %arg6[%dma_wait3A_104, %dma_wait3A_105, %dma_wait3A_106] : memref<3x128x128xf32, #tpu.memory_space<vmem>> -> memref<2x128x128xf32, #tpu.memory_space<vmem>>
      %dma_wait3A_108 = arith.constant 48 : i32
      %dma_wait3A_109 = arith.constant 0 : i32
      %dma_wait3A_110 = tpu.memref_slice %arg4[%dma_wait3A_108, %mul3A_2, %dma_wait3A_109] : memref<50x4096x128xf32, #tpu.memory_space<hbm>> -> memref<2x128x128xf32, #tpu.memory_space<hbm>>
      %dma_wait3A_111 = arith.constant 48 : i32
      %dma_wait3A_112 = arith.constant 0 : i32
      %dma_wait3A_113 = tpu.memref_slice %arg4[%dma_wait3A_111, %mul3A_2, %dma_wait3A_112] : memref<50x4096x128xf32, #tpu.memory_space<hbm>> -> memref<2x128x128xf32, #tpu.memory_space<hbm>>
      %dma_wait3A_114 = arith.constant 0 : i32
      %dma_wait3A_115 = arith.constant 0 : i32
      %dma_wait3A_116 = arith.constant 0 : i32
      %dma_wait3A_117 = tpu.memref_slice %arg6[%dma_wait3A_114, %dma_wait3A_115, %dma_wait3A_116] : memref<3x128x128xf32, #tpu.memory_space<vmem>> -> memref<2x128x128xf32, #tpu.memory_space<vmem>>
      tpu.wait_dma2 semaphore(%run_scoped3A : memref<!tpu.dma_semaphore, #tpu.memory_space<semaphore_mem>>) src(%dma_wait3A_117 : memref<2x128x128xf32, #tpu.memory_space<vmem>>) dst(%dma_wait3A_113 : memref<2x128x128xf32, #tpu.memory_space<hbm>>)
      tpu.yield
    }) : () -> ()
    return
  }
}

</mosaic_0001>

<sc_bundles>
// kernel: kernel.3.cloned.1.call-start
scs
__scs_entry_jumppad:
0x0: {  	(pc) =	sbr.rel $0x88, $3  }
0x1: {  	(tag) =	ssettag $0x0;
	lr =	simm.s32 $0x1  }
0x2: {  	[smem:$0x3F9F] =	sst lr;
	_ =	strace $0xD0000000  }
0x3: {  	_ = 	snop  }
0x4: {  	_ = 	snop  }
0x5: {  	_ = 	snop  }
0x6: {  	_ = 	snop  }
0x7: {  	_ = 	snop  }
__scs_overlays_trampoline_lowered:
0x8: {  	[smem:$0x3FAE] =	sst s0  }
0x9: {  	[smem:$0x3FAF] =	sst s1  }
0xa: {  	[smem:$0x3FB0] =	sst s2  }
0xb: {  	[smem:$0x3FB1] =	sst s3  }
0xc: {  	[smem:$0x3FB2] =	sst s4  }
0xd: {  	[smem:$0x3FB3] =	sst s5  }
0xe: {  	[smem:$0x3FB4] =	sst s6  }
0xf: {  	[smem:$0x3FB5] =	sst s7  }
0x10: {  	[smem:$0x3FB6] =	sst s8  }
0x11: {  	[smem:$0x3FB7] =	sst s9;
	s0 =	simm.s32 @!p0 $0x0  }
0x12: {  	s1 =	sld [smem:$0x3F9D];
	s0 =	simm.s32 @p0 $0x1  }
0x13: {  	[smem:$0x3FB8] =	sst s0;
	s0 =	simm.s32 @!p1 $0x0  }
0x14: {  	s2 =	sld [smem:$0x3F9C];
	s0 =	simm.s32 @p1 $0x1  }
0x15: {  	[smem:$0x3FB9] =	sst s0;
	s0 =	simm.s32 @!p2 $0x0  }
0x16: {  	s3 =	sld [smem:$0x3FDB];
	s0 =	simm.s32 @p2 $0x1  }
0x17: {  	s4 =	simm.s32 $0x1BF5;
	[smem:$0x3FBB] =	sst s0  }
0x18: {  	s0 =	sld [smem:$0x3F9E];
	_ =	swait.ge [sflag:s4], $0x0  }
0x19: {  	s7 =	sld [smem:$0x3F9F]  }
0x1a: {  	s8 =	sadd.s32 $0xFFFFE003, lr  }
0x1b: {  	s9 =	sadd.s32 $0xFFFFFEF7, lr;
	s5 =	simm.s32 $0xFFFFFFFF;
	p2 =	slt.u32 s8, $0xFFFFF086  }
0x1c: {  	p1 =	slt.u32 s9, $0xF7A;
	s5 =	simm.s32 @!p2 $0x0  }
0x1d: {  	s5 =	simm.s32 @p1 $0x1;
	p0 =	seq.s32 s7, s2  }
0x1e: {  	s7 =	smul.u32 @!p0 $0xF7A, s2;
	p2 =	seq.s32 @!p0 s5, $0x0  }
0x1f: {  	s9 =	smul.u32 $0xF7A, s1;
	s8 =	simm.s32 @!p0 $0x1BF5;
	p2 =	por !p2, p0  }
0x20: {  	[sflag:s8] =	ssyncset.s32 @!p0 $0xFFFFF086;
	s6 =	sadd.s32 @!p0 s3, s7;
	s7 =	simm.s32 @!p0 $0x108  }
0x21: {  	s3 =	sadd.s32 s3, s9;
	s6 =	sadd.s32 @!p0 $0x88, s6;
	s7 =	simm.s32 @p2 $0x1082  }
0x22: {  	[simem:s7], [sflag:s8] =	dma.local @!p0 [hbm:s6], $0xF7A  }
0x23: {  	s9 =	sor.u32 $0xD0000000, s2;
	s6 =	simm.s32 $0x108;
	_ =	swait.ge @!p0 [sflag:s8], $0x0  }
0x24: {  	s3 =	sadd.s32 $0x88, s3;
	s6 =	simm.s32 @!p1 $0x1082;
	[sflag:s4] =	ssyncset.s32 $0xFFFFF086  }
0x25: {  	[simem:s6], [sflag:s4] =	dma.local [hbm:s3], $0xF7A  }
0x26: {  	[smem:$0x3F9F] =	sst s1;
	(tag) =	ssettag s2;
	_ =	strace s9  }
0x27: {  	s1 =	sld [smem:$0x3FAF]  }
0x28: {  	s2 =	sld [smem:$0x3FB0]  }
0x29: {  	s4 =	sld [smem:$0x3FB2]  }
0x2a: {  	p0 =	seq.s32 s5, $0x0;
	s5 =	sld [smem:$0x3FB3]  }
0x2b: {  	s6 =	sld [smem:$0x3FB4]  }
0x2c: {  	s7 =	sld [smem:$0x3FB5]  }
0x2d: {  	s3 =	simm.s32 $0x108;
	s8 =	sld [smem:$0x3FB6]  }
0x2e: {  	s3 =	simm.s32 @!p0 $0x1082;
	s9 =	sld [smem:$0x3FB7]  }
0x2f: {  	lr =	sadd.s32 s0, s3;
	s0 =	sld [smem:$0x3FAE]  }
0x30: {  	s3 =	sld [smem:$0x3FB1]  }
0x31: {  	[smem:$0x3FBA] =	sst s10  }
0x32: {  	s10 =	sld [smem:$0x3FB8];
	_ =	sdelay $0x3  }
0x33: {  	p0 =	seq.s32 s10, $0x1;
	s10 =	sld [smem:$0x3FBA];
	_ =	sdelay $0x3  }
0x34: {  	[smem:$0x3FBA] =	sst s10  }
0x35: {  	s10 =	sld [smem:$0x3FB9];
	_ =	sdelay $0x3  }
0x36: {  	p1 =	seq.s32 s10, $0x1;
	s10 =	sld [smem:$0x3FBA];
	_ =	sdelay $0x3  }
0x37: {  	[smem:$0x3FBA] =	sst s10  }
0x38: {  	s10 =	sld [smem:$0x3FBB]  }
0x39: {  	_ = 	snop;
	(pc) =	sbr.ind lr, $3  }
0x3a: {  	_ = 	snop  }
0x3b: {  	_ = 	snop  }
0x3c: {  	p2 =	seq.s32 s10, $0x1;
	s10 =	sld [smem:$0x3FBA]  }
0x3d: {  	_ =	shalt  }
0x3e: {  	_ =	shalt  }
0x3f: {  	_ =	shalt  }
0x40: {  	_ =	shalt  }
0x41: {  	_ =	shalt  }
0x42: {  	_ =	shalt  }
0x43: {  	_ =	shalt  }
0x44: {  	_ =	shalt  }
0x45: {  	_ =	shalt  }
0x46: {  	_ =	shalt  }
0x47: {  	_ =	shalt  }
0x48: {  	_ =	shalt  }
0x49: {  	_ =	shalt  }
0x4a: {  	_ =	shalt  }
0x4b: {  	_ =	shalt  }
0x4c: {  	_ =	shalt  }
0x4d: {  	_ =	shalt  }
0x4e: {  	_ =	shalt  }
0x4f: {  	_ =	shalt  }
0x50: {  	_ =	shalt  }
0x51: {  	_ =	shalt  }
0x52: {  	_ =	shalt  }
0x53: {  	_ =	shalt  }
0x54: {  	_ =	shalt  }
0x55: {  	_ =	shalt  }
0x56: {  	_ =	shalt  }
0x57: {  	_ =	shalt  }
0x58: {  	_ =	shalt  }
0x59: {  	_ =	shalt  }
0x5a: {  	_ =	shalt  }
0x5b: {  	_ =	shalt  }
0x5c: {  	_ =	shalt  }
0x5d: {  	_ =	shalt  }
0x5e: {  	_ =	shalt  }
0x5f: {  	_ =	shalt  }
0x60: {  	_ =	shalt  }
0x61: {  	_ =	shalt  }
0x62: {  	_ =	shalt  }
0x63: {  	_ =	shalt  }
0x64: {  	_ =	shalt  }
0x65: {  	_ =	shalt  }
0x66: {  	_ =	shalt  }
0x67: {  	_ =	shalt  }
0x68: {  	_ =	shalt  }
0x69: {  	_ =	shalt  }
0x6a: {  	_ =	shalt  }
0x6b: {  	_ =	shalt  }
0x6c: {  	_ =	shalt  }
0x6d: {  	_ =	shalt  }
0x6e: {  	_ =	shalt  }
0x6f: {  	_ =	shalt  }
0x70: {  	_ =	shalt  }
0x71: {  	_ =	shalt  }
0x72: {  	_ =	shalt  }
0x73: {  	_ =	shalt  }
0x74: {  	_ =	shalt  }
0x75: {  	_ =	shalt  }
0x76: {  	_ =	shalt  }
0x77: {  	_ =	shalt  }
0x78: {  	_ =	shalt  }
0x79: {  	_ =	shalt  }
0x7a: {  	_ =	shalt  }
0x7b: {  	_ =	shalt  }
0x7c: {  	_ =	shalt  }
0x7d: {  	_ =	shalt  }
0x7e: {  	_ =	shalt  }
0x7f: {  	_ =	shalt  }
0x80: {  	_ =	shalt  }
0x81: {  	_ =	shalt  }
0x82: {  	_ =	shalt  }
0x83: {  	_ =	shalt  }
0x84: {  	_ =	shalt  }
0x85: {  	_ =	shalt  }
0x86: {  	_ =	shalt  }
0x87: {  	_ =	shalt  }
.Lfunc_end0:
.L_simem_size_0:
called_computation_lowered:
.L_overlay_start_0:
0x88: {  	s2 =	sld [smem:$0x3FD9]  }
0x89: {  	s3 =	sld [smem:$0x3FFE];
	_ =	sdelay $0x1  }
0x8a: {  	s1 =	srdreg.scid  }
0x8b: {  	s0 =	sand.u32 $0x1, s1  }
0x8c: {  	s18 =	sshll.u32 s0, $0xA;
	s2 =	sadd.s32 s3, s2  }
0x8d: {  	s2 =	sadd.s32 s2, s18  }
0x8e: {  	[smem:$0x3FC6] =	sst s2  }
0x8f: {  	_ = 	snop  }
0x90: {  	s2 =	sld [smem:$0x3FC9]  }
0x91: {  	s19 =	sld [smem:$0x3FC8]  }
0x92: {  	s4 =	sld [smem:$0x3FD0];
	(tm) =	ssettm $0x1  }
0x93: {  	s5 =	sld [smem:$0x3FFB];
	_ =	sdelay $0x3  }
0x94: {  	_ =	strace s5  }
0x95: {  	s5 =	sld [smem:$0x3FFC];
	_ =	sdelay $0x3  }
0x96: {  	_ =	strace s5  }
0x97: {  	s5 =	sld [smem:$0x3FFD];
	_ =	sdelay $0x3  }
0x98: {  	_ =	strace s5  }
0x99: {  	_ =	strace $0x8FFFFFFF  }
0x9a: {  	s20 =	sld [smem:$0x3FDB];
	_ =	sdelay $0x1  }
0x9b: {  	s6 =	simm.s32 $_scs_section_size  }
0x9c: {  	s7 =	simm.s32 $_size__tile_overlayer_lowered;
	s8 =	simm.s32 $_tile_overlayer_lowered  }
0x9d: {  	s23 =	simm.s32 $0x1BFF;
	s22 =	sshll.u32 s8, $0x1;
	s5 =	sadd.s32 s6, s20  }
0x9e: {  	s9 =	simm.s32 $0x0;
	s21 =	sshll.u32 s7, $0x1;
	s7 =	sadd.s32 s22, s5  }
0x9f: {  	[timem:s9], [sflag:s23] =	dma.local [hbm:s7], s21  }
0xa0: {  	_ =	swait.ge [sflag:s23], s21  }
0xa1: {  	s6 =	ssub.s32 $0x0, s21;
	[sflag:s23] =	ssyncset.done $0x0  }
0xa2: {  	[sflag:s23] =	ssyncadd.s32 s6;
	_ =	sdelay $0x1  }
0xa3: {  	s24 =	simm.s32 $0x1B8B  }
0xa4: {  	_ =	swait.ge [sflag:s24], $0x1  }
0xa5: {  	[sflag:s24] =	ssyncset.done $0x0  }
0xa6: {  	s25 =	simm.s32 $0x1B8E;
	[sflag:s24] =	ssyncadd.s32 $0xFFFFFFFF  }
0xa7: {  	s26 =	simm.s32 $execute0_lowered;
	[smem:$0x3FD2] =	sst s25  }
0xa8: {  	s6 =	sshll.u32 s26, $0x1;
	_ =	strace $0x80000046;
	[dreg:$0x1] =	wrdreg $0xFFFFFFFF  }
0xa9: {  	s28 =	simm.s32 $_size_execute0_lowered;
	s5 =	sadd.s32 s5, s6;
	[dreg:$0x0] =	wrdreg $0x0  }
0xaa: {  	s6 =	sshll.u32 s28, $0x1;
	[dreg:$0x2] =	wrdreg s5  }
0xab: {  	[dreg:$0x3] =	wrdreg s6  }
0xac: {  	[dreg:$0x4] =	wrdreg $0xC0  }
0xad: {  	_ =	task [dreg:s9], $0x5FFFF  }
0xae: {  	[dreg:$0x1] =	wrdreg $0xFFFFFFFF  }
0xaf: {  	[dreg:$0x0] =	wrdreg $0x60  }
0xb0: {  	[dreg:$0x2] =	wrdreg s2  }
0xb1: {  	[dreg:$0x3] =	wrdreg s19  }
0xb2: {  	[dreg:$0x4] =	wrdreg s4  }
0xb3: {  	[dreg:$0x5] =	wrdreg $0x9  }
0xb4: {  	_ =	task.clear_ibuf [dreg:s9], $0x6FFFF;
	_ =	strace $0x90000046  }
0xb5: {  	s29 =	simm.s32 $0x9;
	_ =	strace $0x80000048  }
0xb6: {  	_ =	swait.ge [sflag:s29], $0x1  }
0xb7: {  	[sflag:s29] =	ssyncadd.s32 $0xFFFFFFFF  }
0xb8: {  	_ =	strace $0x90000048  }
0xb9: {  	_ =	sfence  }
0xba: {  	s30 =	sld [smem:$0x0];
	_ =	sdelay $0x2  }
0xbb: {  	s31 =	sshll.u32 s1, $0xD;
	s1 =	sshrl.u32 s1, $0x2  }
0xbc: {  	s3 =	sand.u32 $0x4000, s31;
	s1 =	sadd.s32 s1, s30  }
0xbd: {  	s0 =	sor.u32 s3, s0;
	s1 =	sshll.u32 s1, $0x11  }
0xbe: {  	s0 =	sor.u32 s1, s0  }
0xbf: {  	s0 =	sadd.s32 $0x8F2B, s0  }
0xc0: {  	[sflag:s0] =	ssyncadd.remote.s32 $0x1  }
0xc1: {  	_ =	sfence.sel $0xFFFF  }
0xc2: {  	[dreg:$0x0] =	wrdreg $0xFFFFFFFF;
	(pc) =	sbr.abs _section_cstart, $3  }
0xc3: {  	[dreg:$0x1] =	wrdreg $0xFFFFFFFF  }
0xc4: {  	_ =	task.clear_ibuf [dreg:s9], $0x2FFFF;
	_ =	strace $0x9FFFFFFF  }
0xc5: {  	(tm) =	ssettm $0x7FFFFFFF  }
tec
execute0_lowered:
.L_overlay_start_1:
0x0: {  	(tag) =	ssettag $0x1  }
0x1: {  	s0 =	rddreg [dreg:$0x0]  }
0x2: {  	s1 =	rddreg [dreg:$0x1]  }
0x3: {  	s2 =	rddreg [dreg:$0x2]  }
0x4: {  	s4 =	srdreg.scid;
	s3 =	simm.s32 $0x0;
	s9 =	stileid.u32  }
0x5: {  	s14 =	simm.s32 $0x1800;
	s15 =	simm.s32 $0x3;
	s16 =	simm.s32 $0x80  }
0x6: {  	s17 =	simm.s32 $0x1C00;
	s18 =	simm.s32 $0x5C00;
	s20 =	simm.s32 $0x9C00  }
0x7: {  	s21 =	simm.s32 $0xDC00;
	s22 =	simm.s32 $0x11C00;
	s23 =	simm.s32 $0x15C00  }
0x8: {  	s24 =	simm.s32 $0x1;
	s25 =	simm.s32 $0x4000;
	s28 =	simm.s32 $0x2  }
0x9: {  	s5 =	sand.u32 $0x1, s4;
	s6 =	sshll.u32 s9, $0x8;
	[smem:$0x7FF] =	sst s3  }
0xa: {  	s30 =	sshll.u32 s9, $0xF;
	s4 =	ssub.s32 $0x2, s5;
	s7 =	sshll.u32 s5, $0x7  }
0xb: {  	_ =	strace $0x80000047;
	s31 =	sshll.u32 s5, $0xE;
	s8 =	sshrl.u32 s4, $0x1  }
0xc: {  	s6 =	sor.u32 s7, s6;
	s9 =	sor.u32 s31, s30;
	s26 =	ssub.s32 s4, s8  }
0xd: {  	s4 =	sadd.s32 s0, s6;
	s29 =	sshll.u32 s6, $0x4;
	s10 =	sor.u32 $0x180000, s9  }
0xe: {  	s11 =	sshrl.u32 s9, $0x3;
	s5 =	sadd.s32 $0x6000, s4;
	s0 =	sadd.s32 s29, s2  }
0xf: {  	s7 =	smax.u32 s26, $0x1;
	s12 =	sshrl.u32 s10, $0x3;
	s10 =	sadd.s32 s11, s2  }
0x10: {  	s26 =	simm.s32 $0x80000;
	s6 =	sadd.s32 $0x300000, s0;
	s8 =	sadd.s32 $0x2A0000, s0  }
0x11: {  	s9 =	sadd.s32 $0x2D0000, s0;
	s11 =	sadd.s32 s12, s2;
	s2 =	simm.s32 $0x0  }
.LBB2_1:
0x12: {  	s0 =	simm.s32 $0x400;
	s12 =	simm.s32 $0x8000  }
0x13: {  	[tilespmem:s3], [sflag:$0x3] =	stream.strided.gather [hbm4b:s4+s0], $0x1800, s12, s0, $0x38;
	[tilespmem:$0x19C00] =	vst v63  }
0x14: {  	_ = 	snop  }
0x15: {  	[tilespmem:s14], [sflag:$0x3] =	stream.linear.gather [hbm4b:s5+s3], $0x100, $0x38;
	[tilespmem:$0x19C00] =	vst v63  }
0x16: {  	_ =	swait.ge [sflag:s15], $0x1900  }
0x17: {  	[sflag:s15] =	ssyncset.done $0x0  }
0x18: {  	[sflag:s15] =	ssyncadd.s32 $0xFFFFE700  }
0x19: {  	[tilespmem:s17], [sflag:$0x1] =	stream.indirect.gather [hbm4b:s1+s16], $0x80, s3, s16, $0xb8;
	[tilespmem:$0x19C00] =	vst v63  }
0x1a: {  	_ = 	snop  }
0x1b: {  	[tilespmem:s18], [sflag:$0x1] =	stream.indirect.gather [hbm4b:s1+s16], $0x80, s16, s16, $0xb8;
	[tilespmem:$0x19C00] =	vst v63  }
0x1c: {  	s30 =	simm.s32 $0x100  }
0x1d: {  	[tilespmem:s20], [sflag:$0x1] =	stream.indirect.gather [hbm4b:s1+s16], $0x80, s30, s16, $0xb8;
	[tilespmem:$0x19C00] =	vst v63  }
0x1e: {  	s31 =	simm.s32 $0x180  }
0x1f: {  	[tilespmem:s21], [sflag:$0x2] =	stream.indirect.gather [hbm4b:s1+s16], $0x80, s31, s16, $0xb8;
	[tilespmem:$0x19C00] =	vst v63  }
0x20: {  	s0 =	simm.s32 $0x200  }
0x21: {  	[tilespmem:s22], [sflag:$0x2] =	stream.indirect.gather [hbm4b:s1+s16], $0x80, s0, s16, $0xb8;
	[tilespmem:$0x19C00] =	vst v63  }
0x22: {  	s13 =	simm.s32 $0x280  }
0x23: {  	[tilespmem:s23], [sflag:$0x2] =	stream.indirect.gather [hbm4b:s1+s16], $0x80, s13, s16, $0xb8;
	[tilespmem:$0x19C00] =	vst v63  }
0x24: {  	_ =	swait.ge [sflag:s24], $0x4000  }
0x25: {  	[sflag:s24] =	ssyncset.done $0x0  }
0x26: {  	[sflag:s24] =	ssyncadd.s32 $0xFFFFC000  }
0x27: {  	_ =	swait.ge [sflag:s24], $0x4000  }
0x28: {  	[sflag:s24] =	ssyncset.done $0x0  }
0x29: {  	[sflag:s24] =	ssyncadd.s32 $0xFFFFC000  }
0x2a: {  	_ =	swait.ge [sflag:s24], $0x4000  }
0x2b: {  	[sflag:s24] =	ssyncset.done $0x0  }
0x2c: {  	[sflag:s24] =	ssyncadd.s32 $0xFFFFC000  }
0x2d: {  	[hbm4b:s10+s25] =	stream.strided.scatter [tilespmem:s17], [sflag:$0x3], $0xC000, s26, s25, $0x38;
	[tilespmem:$0x19C00] =	vst v63  }
0x2e: {  	_ =	swait.ge [sflag:s15], $0xC000  }
0x2f: {  	[sflag:s15] =	ssyncset.done $0x0  }
0x30: {  	s19 =	simm.s32 $0x300;
	[sflag:s15] =	ssyncadd.s32 $0xFFFF4000  }
0x31: {  	[tilespmem:s17], [sflag:$0x1] =	stream.indirect.gather [hbm4b:s1+s16], $0x80, s19, s16, $0xb8;
	[tilespmem:$0x19C00] =	vst v63  }
0x32: {  	s30 =	simm.s32 $0x380  }
0x33: {  	[tilespmem:s18], [sflag:$0x1] =	stream.indirect.gather [hbm4b:s1+s16], $0x80, s30, s16, $0xb8;
	[tilespmem:$0x19C00] =	vst v63  }
0x34: {  	s31 =	simm.s32 $0x400  }
0x35: {  	[tilespmem:s20], [sflag:$0x1] =	stream.indirect.gather [hbm4b:s1+s16], $0x80, s31, s16, $0xb8;
	[tilespmem:$0x19C00] =	vst v63  }
0x36: {  	_ =	swait.ge [sflag:s28], $0x4000  }
0x37: {  	[sflag:s28] =	ssyncset.done $0x0  }
0x38: {  	[sflag:s28] =	ssyncadd.s32 $0xFFFFC000  }
0x39: {  	_ =	swait.ge [sflag:s28], $0x4000  }
0x3a: {  	[sflag:s28] =	ssyncset.done $0x0  }
0x3b: {  	[sflag:s28] =	ssyncadd.s32 $0xFFFFC000  }
0x3c: {  	_ =	swait.ge [sflag:s28], $0x4000  }
0x3d: {  	[sflag:s28] =	ssyncset.done $0x0  }
0x3e: {  	[sflag:s28] =	ssyncadd.s32 $0xFFFFC000  }
0x3f: {  	[hbm4b:s11+s25] =	stream.strided.scatter [tilespmem:s21], [sflag:$0x3], $0xC000, s26, s25, $0x38;
	[tilespmem:$0x19C00] =	vst v63  }
0x40: {  	s29 =	simm.s32 $0x1800;
	s12 =	sadd.s32 $0x60000, s11;
	_ =	swait.ge [sflag:s15], $0xC000  }
0x41: {  	s13 =	sadd.s32 $0x60000, s10;
	s19 =	simm.s32 $0x300;
	[sflag:s15] =	ssyncset.done $0x0  }
.LBB2_2:
0x42: {  	s0 =	sadd.s32 $0x180, s19  }
0x43: {  	[sflag:s15] =	ssyncadd.s32 $0xFFFF4000;
	s30 =	smov.u32 s29;
	s31 =	sadd.s32 $0xC00, s29  }
0x44: {  	[tilespmem:s21], [sflag:$0x2] =	stream.indirect.gather [hbm4b:s1+s16], $0x80, s0, s16, $0xb8;
	[tilespmem:$0x19C00] =	vst v63  }
0x45: {  	p0 =	sne.s32 s29, $0x4800;
	s0 =	sadd.s32 $0x200, s19  }
0x46: {  	[tilespmem:s22], [sflag:$0x2] =	stream.indirect.gather [hbm4b:s1+s16], $0x80, s0, s16, $0xb8;
	[tilespmem:$0x19C00] =	vst v63  }
0x47: {  	s0 =	sadd.s32 $0x280, s19  }
0x48: {  	[tilespmem:s23], [sflag:$0x2] =	stream.indirect.gather [hbm4b:s1+s16], $0x80, s0, s16, $0xb8;
	[tilespmem:$0x19C00] =	vst v63  }
0x49: {  	_ =	swait.ge [sflag:s24], $0x4000  }
0x4a: {  	[sflag:s24] =	ssyncset.done $0x0  }
0x4b: {  	[sflag:s24] =	ssyncadd.s32 $0xFFFFC000  }
0x4c: {  	_ =	swait.ge [sflag:s24], $0x4000  }
0x4d: {  	[sflag:s24] =	ssyncset.done $0x0  }
0x4e: {  	[sflag:s24] =	ssyncadd.s32 $0xFFFFC000  }
0x4f: {  	_ =	swait.ge [sflag:s24], $0x4000  }
0x50: {  	[sflag:s24] =	ssyncset.done $0x0  }
0x51: {  	[sflag:s24] =	ssyncadd.s32 $0xFFFFC000  }
0x52: {  	[hbm4b:s13+s25] =	stream.strided.scatter [tilespmem:s17], [sflag:$0x3], $0xC000, s26, s25, $0x38;
	[tilespmem:$0x19C00] =	vst v63  }
0x53: {  	_ =	swait.ge [sflag:s15], $0xC000  }
0x54: {  	[sflag:s15] =	ssyncset.done $0x0  }
0x55: {  	s0 =	sadd.s32 $0x300, s19;
	[sflag:s15] =	ssyncadd.s32 $0xFFFF4000  }
0x56: {  	[tilespmem:s17], [sflag:$0x1] =	stream.indirect.gather [hbm4b:s1+s16], $0x80, s0, s16, $0xb8;
	[tilespmem:$0x19C00] =	vst v63  }
0x57: {  	s0 =	sadd.s32 $0x380, s19  }
0x58: {  	[tilespmem:s18], [sflag:$0x1] =	stream.indirect.gather [hbm4b:s1+s16], $0x80, s0, s16, $0xb8;
	[tilespmem:$0x19C00] =	vst v63  }
0x59: {  	s0 =	sadd.s32 $0x400, s19  }
0x5a: {  	[tilespmem:s20], [sflag:$0x1] =	stream.indirect.gather [hbm4b:s1+s16], $0x80, s0, s16, $0xb8;
	[tilespmem:$0x19C00] =	vst v63  }
0x5b: {  	_ =	swait.ge [sflag:s28], $0x4000  }
0x5c: {  	[sflag:s28] =	ssyncset.done $0x0  }
0x5d: {  	[sflag:s28] =	ssyncadd.s32 $0xFFFFC000  }
0x5e: {  	_ =	swait.ge [sflag:s28], $0x4000  }
0x5f: {  	[sflag:s28] =	ssyncset.done $0x0  }
0x60: {  	[sflag:s28] =	ssyncadd.s32 $0xFFFFC000  }
0x61: {  	_ =	swait.ge [sflag:s28], $0x4000  }
.Ltmp0:
0x62: {  	[sflag:s28] =	ssyncset.done $0x0;
	(pc) =	sbr.rel @p0 .LBB2_2-.Ltmp0, $4  }
0x63: {  	[sflag:s28] =	ssyncadd.s32 $0xFFFFC000  }
0x64: {  	[hbm4b:s12+s25] =	stream.strided.scatter [tilespmem:s21], [sflag:$0x3], $0xC000, s26, s25, $0x38;
	[tilespmem:$0x19C00] =	vst v63  }
0x65: {  	s29 =	smov.u32 s31;
	s12 =	sadd.s32 $0x60000, s12;
	_ =	swait.ge [sflag:s15], $0xC000  }
0x66: {  	s13 =	sadd.s32 $0x60000, s13;
	s19 =	sshra.s32 s30, $0x2;
	[sflag:s15] =	ssyncset.done $0x0  }
0x67: {  	s0 =	sadd.s32 $0x180, s19;
	[sflag:s15] =	ssyncadd.s32 $0xFFFF4000  }
0x68: {  	[tilespmem:s21], [sflag:$0x2] =	stream.indirect.gather [hbm4b:s1+s16], $0x80, s0, s16, $0xb8;
	[tilespmem:$0x19C00] =	vst v63  }
0x69: {  	s31 =	sadd.s32 $0x200, s19  }
0x6a: {  	[tilespmem:s22], [sflag:$0x2] =	stream.indirect.gather [hbm4b:s1+s16], $0x80, s31, s16, $0xb8;
	[tilespmem:$0x19C00] =	vst v63  }
0x6b: {  	s29 =	sadd.s32 $0x280, s19  }
0x6c: {  	[tilespmem:s23], [sflag:$0x2] =	stream.indirect.gather [hbm4b:s1+s16], $0x80, s29, s16, $0xb8;
	[tilespmem:$0x19C00] =	vst v63  }
0x6d: {  	_ =	swait.ge [sflag:s24], $0x4000  }
0x6e: {  	[sflag:s24] =	ssyncset.done $0x0  }
0x6f: {  	[sflag:s24] =	ssyncadd.s32 $0xFFFFC000  }
0x70: {  	_ =	swait.ge [sflag:s24], $0x4000  }
0x71: {  	[sflag:s24] =	ssyncset.done $0x0  }
0x72: {  	[sflag:s24] =	ssyncadd.s32 $0xFFFFC000  }
0x73: {  	_ =	swait.ge [sflag:s24], $0x4000  }
0x74: {  	[sflag:s24] =	ssyncset.done $0x0  }
0x75: {  	[sflag:s24] =	ssyncadd.s32 $0xFFFFC000  }
0x76: {  	[hbm4b:s13+s25] =	stream.strided.scatter [tilespmem:s17], [sflag:$0x3], $0xC000, s26, s25, $0x38;
	[tilespmem:$0x19C00] =	vst v63  }
0x77: {  	_ =	swait.ge [sflag:s15], $0xC000  }
0x78: {  	[sflag:s15] =	ssyncset.done $0x0  }
0x79: {  	s30 =	sadd.s32 $0x300, s19;
	[sflag:s15] =	ssyncadd.s32 $0xFFFF4000  }
0x7a: {  	[tilespmem:s17], [sflag:$0x1] =	stream.indirect.gather [hbm4b:s1+s16], $0x80, s30, s16, $0xb8;
	[tilespmem:$0x19C00] =	vst v63  }
0x7b: {  	s31 =	sadd.s32 $0x380, s19  }
0x7c: {  	[tilespmem:s18], [sflag:$0x1] =	stream.indirect.gather [hbm4b:s1+s16], $0x80, s31, s16, $0xb8;
	[tilespmem:$0x19C00] =	vst v63  }
0x7d: {  	s13 =	sadd.s32 $0x400, s19  }
0x7e: {  	[tilespmem:s20], [sflag:$0x1] =	stream.indirect.gather [hbm4b:s1+s16], $0x80, s13, s16, $0xb8;
	[tilespmem:$0x19C00] =	vst v63  }
0x7f: {  	_ =	swait.ge [sflag:s28], $0x4000  }
0x80: {  	[sflag:s28] =	ssyncset.done $0x0  }
0x81: {  	[sflag:s28] =	ssyncadd.s32 $0xFFFFC000  }
0x82: {  	_ =	swait.ge [sflag:s28], $0x4000  }
0x83: {  	[sflag:s28] =	ssyncset.done $0x0  }
0x84: {  	[sflag:s28] =	ssyncadd.s32 $0xFFFFC000  }
0x85: {  	_ =	swait.ge [sflag:s28], $0x4000  }
0x86: {  	[sflag:s28] =	ssyncset.done $0x0  }
0x87: {  	[sflag:s28] =	ssyncadd.s32 $0xFFFFC000  }
0x88: {  	[hbm4b:s12+s25] =	stream.strided.scatter [tilespmem:s21], [sflag:$0x3], $0xC000, s26, s25, $0x38;
	[tilespmem:$0x19C00] =	vst v63  }
0x89: {  	_ =	swait.ge [sflag:s15], $0xC000  }
0x8a: {  	[sflag:s15] =	ssyncset.done $0x0  }
0x8b: {  	s19 =	simm.s32 $0x1680;
	[sflag:s15] =	ssyncadd.s32 $0xFFFF4000  }
0x8c: {  	[tilespmem:s21], [sflag:$0x2] =	stream.indirect.gather [hbm4b:s1+s16], $0x80, s19, s16, $0xb8;
	[tilespmem:$0x19C00] =	vst v63  }
0x8d: {  	s29 =	simm.s32 $0x1700  }
0x8e: {  	[tilespmem:s22], [sflag:$0x2] =	stream.indirect.gather [hbm4b:s1+s16], $0x80, s29, s16, $0xb8;
	[tilespmem:$0x19C00] =	vst v63  }
0x8f: {  	s30 =	simm.s32 $0x1780  }
0x90: {  	[tilespmem:s23], [sflag:$0x2] =	stream.indirect.gather [hbm4b:s1+s16], $0x80, s30, s16, $0xb8;
	[tilespmem:$0x19C00] =	vst v63  }
0x91: {  	_ =	swait.ge [sflag:s24], $0x4000  }
0x92: {  	[sflag:s24] =	ssyncset.done $0x0  }
0x93: {  	[sflag:s24] =	ssyncadd.s32 $0xFFFFC000  }
0x94: {  	_ =	swait.ge [sflag:s24], $0x4000  }
0x95: {  	[sflag:s24] =	ssyncset.done $0x0  }
0x96: {  	[sflag:s24] =	ssyncadd.s32 $0xFFFFC000  }
0x97: {  	_ =	swait.ge [sflag:s24], $0x4000  }
0x98: {  	[sflag:s24] =	ssyncset.done $0x0  }
0x99: {  	[sflag:s24] =	ssyncadd.s32 $0xFFFFC000  }
0x9a: {  	[hbm4b:s8+s25] =	stream.strided.scatter [tilespmem:s17], [sflag:$0x3], $0xC000, s26, s25, $0x38;
	[tilespmem:$0x19C00] =	vst v63  }
0x9b: {  	_ =	swait.ge [sflag:s15], $0xC000  }
0x9c: {  	[sflag:s15] =	ssyncset.done $0x0  }
0x9d: {  	[sflag:s15] =	ssyncadd.s32 $0xFFFF4000  }
0x9e: {  	_ =	swait.ge [sflag:s28], $0x4000  }
0x9f: {  	[sflag:s28] =	ssyncset.done $0x0  }
0xa0: {  	[sflag:s28] =	ssyncadd.s32 $0xFFFFC000  }
0xa1: {  	_ =	swait.ge [sflag:s28], $0x4000  }
0xa2: {  	[sflag:s28] =	ssyncset.done $0x0  }
0xa3: {  	[sflag:s28] =	ssyncadd.s32 $0xFFFFC000  }
0xa4: {  	_ =	swait.ge [sflag:s28], $0x4000  }
0xa5: {  	[sflag:s28] =	ssyncset.done $0x0  }
0xa6: {  	[sflag:s28] =	ssyncadd.s32 $0xFFFFC000  }
0xa7: {  	[hbm4b:s9+s25] =	stream.strided.scatter [tilespmem:s21], [sflag:$0x3], $0xC000, s26, s25, $0x38;
	[tilespmem:$0x19C00] =	vst v63  }
0xa8: {  	_ =	swait.ge [sflag:s15], $0xC000  }
0xa9: {  	[sflag:s15] =	ssyncset.done $0x0  }
0xaa: {  	[sflag:s15] =	ssyncadd.s32 $0xFFFF4000  }
0xab: {  	[tilespmem:s17], [sflag:$0x1] =	stream.indirect.gather [hbm4b:s1+s16], $0x80, s14, s16, $0xb8;
	[tilespmem:$0x19C00] =	vst v63  }
0xac: {  	s31 =	simm.s32 $0x1880  }
0xad: {  	[tilespmem:s18], [sflag:$0x1] =	stream.indirect.gather [hbm4b:s1+s16], $0x80, s31, s16, $0xb8;
	[tilespmem:$0x19C00] =	vst v63  }
0xae: {  	_ =	swait.ge [sflag:s24], $0x4000  }
0xaf: {  	[sflag:s24] =	ssyncset.done $0x0  }
0xb0: {  	[sflag:s24] =	ssyncadd.s32 $0xFFFFC000  }
0xb1: {  	s2 =	sadd.s32 $0x1, s2;
	_ =	swait.ge [sflag:s24], $0x4000  }
0xb2: {  	p0 =	sne.s32 s2, s7;
	[sflag:s24] =	ssyncset.done $0x0  }
.Ltmp1:
0xb3: {  	[sflag:s24] =	ssyncadd.s32 $0xFFFFC000;
	(pc) =	sbr.rel @p0 .LBB2_1-.Ltmp1, $4  }
0xb4: {  	[hbm4b:s6+s25] =	stream.strided.scatter [tilespmem:s17], [sflag:$0x3], $0x8000, s26, s25, $0x38;
	[tilespmem:$0x19C00] =	vst v63  }
0xb5: {  	_ =	swait.ge [sflag:s15], $0x8000  }
0xb6: {  	[sflag:s15] =	ssyncset.done $0x0  }
0xb7: {  	[sflag:s15] =	ssyncadd.s32 $0xFFFF8000  }
0xb8: {  	_ =	sfence.sel $0x180000  }
0xb9: {  	[bflag:$0x0] =	sbarrier.arrive $0xFFFF  }
0xba: {  	_ =	strace $0x90000047  }
0xbb: {  	s0 =	stileid.u32;
	[bflag:$0x2] =	sbarrier.arrive $0xFFFF  }
0xbc: {  	p0 =	sne.s32 s0, $0x0;
	s0 =	rddreg [dreg:$0x3]  }
0xbd: {  	s0 =	sadd.s32 @!p0 $0x100000, s0  }
0xbe: {  	[sflag:s0] =	ssyncadd.tile.s32 @!p0 $0x1;
	_ =	shalt  }
.Lfunc_end2:
_tile_overlayer_lowered:
.L_overlay_start_2:
0xbf: {  	(tag) =	ssettag $0x2  }
0xc0: {  	s0 =	rddreg [dreg:$0x0];
	s2 =	stileid.u32  }
0xc1: {  	s1 =	rddreg [dreg:$0x1];
	p0 =	sne.s32 s2, $0x0  }
0xc2: {  	s3 =	rddreg [dreg:$0x2];
	[bflag:$0x3] =	sbarrier.arrive $0xFFFF;
	s2 =	simm.s32 @!p0 $0x1C03  }
0xc3: {  	[timem:s3], [sflag:s2] =	dma.local @!p0 [hbm:s0], s1  }
0xc4: {  	s0 =	simm.s32 @!p0 $0x3  }
0xc5: {  	_ =	swait.ge @!p0 [sflag:s0], s1  }
0xc6: {  	s1 =	ssub.s32 @!p0 $0x0, s1;
	[sflag:s0] =	ssyncset.done @!p0 $0x0  }
0xc7: {  	[sflag:s0] =	ssyncadd.s32 @!p0 s1  }
0xc8: {  	[bflag:$0x3] =	sbarrier.arrive $0xFFFF  }
0xc9: {  	_ =	shalt  }

</sc_bundles>
